<compile_context>
chip_gen: v7x
topology: tpu7x:2x2x1
jax: 0.10.2.dev20260603
libtpu: 0.0.44.dev20260713+nightly
codegen_flags: <defaults>
</compile_context>

<pallas_src>
import functools

import jax
import jax.numpy as jnp
from jax import lax
from jax.experimental import pallas as pl
from jax.experimental.pallas import tpu as pltpu
from jax.experimental.pallas import tpu_sc as plsc

N_NODES = 100000
D = 128
N2 = 8192
N1 = 2048
B = 512
N_CLASSES = 41

NC = 2
NS = 16
NW = NC * NS

_MESH = plsc.VectorSubcoreMesh(core_axis_name="c", subcore_axis_name="s")



_S_PER_W = N2 // NW
_D_PER_W = N1 // NW


@functools.partial(
    pl.kernel,
    mesh=_MESH,
    out_type=(
        jax.ShapeDtypeStruct((N2, D), jnp.float32),
        jax.ShapeDtypeStruct((N1, D), jnp.float32),
    ),
    scratch_types=[
        pltpu.VMEM((_S_PER_W,), jnp.int32),
        pltpu.VMEM((_D_PER_W,), jnp.int32),
        pltpu.VMEM((_S_PER_W,), jnp.int32),
        pltpu.VMEM((_D_PER_W,), jnp.int32),
        pltpu.VMEM((_S_PER_W, D), jnp.float32),
        pltpu.VMEM((_D_PER_W, D), jnp.float32),
        pltpu.SemaphoreType.DMA,
        pltpu.SemaphoreType.DMA,
    ],
)
def _sc_gather_l1(features_hbm, src_nodes_hbm, s2s_hbm, s2d_hbm,
                  src_out, dst_out,
                  cidx_v, didx_v, gs_v, gd_v,
                  srows_v, drows_v, sem0, sem1):
    wid = lax.axis_index("s") * NC + lax.axis_index("c")
    sbase = wid * _S_PER_W
    dbase = wid * _D_PER_W

    pltpu.sync_copy(s2s_hbm.at[pl.ds(sbase, _S_PER_W)], cidx_v)
    pltpu.sync_copy(s2d_hbm.at[pl.ds(dbase, _D_PER_W)], didx_v)

    cp0 = pltpu.async_copy(src_nodes_hbm.at[cidx_v], gs_v, sem0)
    cp1 = pltpu.async_copy(src_nodes_hbm.at[didx_v], gd_v, sem1)
    cp0.wait()
    cp1.wait()

    cp2 = pltpu.async_copy(features_hbm.at[gs_v], srows_v, sem0)
    cp3 = pltpu.async_copy(features_hbm.at[gd_v], drows_v, sem1)
    cp2.wait()
    cp3.wait()

    pltpu.sync_copy(srows_v, src_out.at[pl.ds(sbase, _S_PER_W)])
    pltpu.sync_copy(drows_v, dst_out.at[pl.ds(dbase, _D_PER_W)])



_BLK1 = 256
_GRID = N1 // _BLK1
_NCH = 4
_CH = N2 // _NCH


def _tc_fused_body(dif1_hbm, dif2_hbm, src_ref, dst1_ref, w1t_ref, w1b_ref,
                   is2_ref, id2_ref, w2t_ref, w2b_ref, wc_ref,
                   o_ref, s1b_ref, h1_ref, dbuf0_ref, dbuf1_ref,
                   dif2_ref, sems, sem2):
    i = pl.program_id(0)

    def issue(block, buf_ref, slot):
        for c in range(_NCH):
            pltpu.make_async_copy(
                dif1_hbm.at[pl.ds(block * _BLK1, _BLK1),
                            pl.ds(c * _CH, _CH)],
                buf_ref.at[:, pl.ds(c * _CH, _CH)],
                sems.at[slot, c],
            ).start()

    def wait(block, buf_ref, slot):
        for c in range(_NCH):
            pltpu.make_async_copy(
                dif1_hbm.at[pl.ds(block * _BLK1, _BLK1),
                            pl.ds(c * _CH, _CH)],
                buf_ref.at[:, pl.ds(c * _CH, _CH)],
                sems.at[slot, c],
            ).wait()

    @pl.when(i == 0)
    def _():
        issue(0, dbuf0_ref, 0)
        issue(1, dbuf1_ref, 1)
        s1b_ref[...] = jnp.dot(src_ref[...], w1b_ref[...],
                               preferred_element_type=jnp.float32
                               ).astype(jnp.bfloat16)

    @pl.when(jnp.logical_and(i > 0, i + 1 < _GRID))
    def _():
        @pl.when(lax.rem(i + 1, 2) == 0)
        def _():
            issue(i + 1, dbuf0_ref, 0)

        @pl.when(lax.rem(i + 1, 2) == 1)
        def _():
            issue(i + 1, dbuf1_ref, 1)

    @pl.when(i == _GRID - 2)
    def _():
        pltpu.make_async_copy(dif2_hbm, dif2_ref, sem2).start()

    def consume(buf_ref, slot):
        wait(i, buf_ref, slot)
        acc = jnp.dot(dst1_ref[...], w1t_ref[...],
                      preferred_element_type=jnp.float32)
        acc = acc + jnp.dot(buf_ref[...].astype(jnp.bfloat16), s1b_ref[...],
                            preferred_element_type=jnp.float32)
        h1_ref[pl.ds(i * _BLK1, _BLK1), :] = jnp.maximum(acc, 0.0)

    @pl.when(lax.rem(i, 2) == 0)
    def _():
        consume(dbuf0_ref, 0)

    @pl.when(lax.rem(i, 2) == 1)
    def _():
        consume(dbuf1_ref, 1)

    @pl.when(i == _GRID - 1)
    def _():
        pltpu.make_async_copy(dif2_hbm, dif2_ref, sem2).wait()
        h1b = h1_ref[...].astype(jnp.bfloat16)
        col = lax.broadcasted_iota(jnp.int32, (N1, N1), 1)
        oh_s2 = (col == is2_ref[...]).astype(jnp.bfloat16)
        src2 = jnp.dot(oh_s2, h1b, preferred_element_type=jnp.float32)
        cold = lax.broadcasted_iota(jnp.int32, (B, N1), 1)
        oh_d2 = (cold == id2_ref[...]).astype(jnp.bfloat16)
        dst2 = jnp.dot(oh_d2, h1b, preferred_element_type=jnp.float32)

        agg = jnp.dot(dif2_ref[...].astype(jnp.bfloat16),
                      src2.astype(jnp.bfloat16),
                      preferred_element_type=jnp.float32)
        h = jnp.dot(dst2, w2t_ref[...], preferred_element_type=jnp.float32)
        h = h + jnp.dot(agg, w2b_ref[...], preferred_element_type=jnp.float32)
        h = jnp.maximum(h, 0.0)
        logits = jnp.dot(h, wc_ref[...], preferred_element_type=jnp.float32)
        m = jnp.max(logits, axis=-1, keepdims=True)
        e = jnp.exp(logits - m)
        o_ref[...] = e / jnp.sum(e, axis=-1, keepdims=True)


def _tc_fused(dif1, src1, dst1, w1t, w1b, dif2, is2_2d, id2_2d, w2t, w2b,
              wc):
    return pl.pallas_call(
        _tc_fused_body,
        grid=(_GRID,),
        in_specs=[
            pl.BlockSpec(memory_space=pl.ANY),
            pl.BlockSpec(memory_space=pl.ANY),
            pl.BlockSpec((N2, D), lambda i: (0, 0)),
            pl.BlockSpec((_BLK1, D), lambda i: (i, 0)),
            pl.BlockSpec((D, D), lambda i: (0, 0)),
            pl.BlockSpec((D, D), lambda i: (0, 0)),
            pl.BlockSpec((N1, 1), lambda i: (0, 0)),
            pl.BlockSpec((B, 1), lambda i: (0, 0)),
            pl.BlockSpec((D, D), lambda i: (0, 0)),
            pl.BlockSpec((D, D), lambda i: (0, 0)),
            pl.BlockSpec((D, N_CLASSES), lambda i: (0, 0)),
        ],
        out_specs=pl.BlockSpec((B, N_CLASSES), lambda i: (0, 0)),
        out_shape=jax.ShapeDtypeStruct((B, N_CLASSES), jnp.float32),
        scratch_shapes=[
            pltpu.VMEM((N2, D), jnp.bfloat16),
            pltpu.VMEM((N1, D), jnp.float32),
            pltpu.VMEM((_BLK1, N2), jnp.float32),
            pltpu.VMEM((_BLK1, N2), jnp.float32),
            pltpu.VMEM((B, N1), jnp.float32),
            pltpu.SemaphoreType.DMA((2, _NCH)),
            pltpu.SemaphoreType.DMA,
        ],
    )(dif1, dif2, src1, dst1, w1t, w1b, is2_2d, id2_2d, w2t, w2b, wc)




def kernel(features, src_nodes, dstsrc2src_1, dstsrc2dst_1, dif_mat_1,
           dstsrc2src_2, dstsrc2dst_2, dif_mat_2, W1, W2, Wc):
    sn = src_nodes.astype(jnp.int32)
    i_s1 = dstsrc2src_1.astype(jnp.int32)
    i_d1 = dstsrc2dst_1.astype(jnp.int32)
    i_s2 = dstsrc2src_2.astype(jnp.int32).reshape(N1, 1)
    i_d2 = dstsrc2dst_2.astype(jnp.int32).reshape(B, 1)

    src1, dst1 = _sc_gather_l1(features, sn, i_s1, i_d1)
    return _tc_fused(dif_mat_1, src1, dst1, W1[:D], W1[D:],
                     dif_mat_2, i_s2, i_d2, W2[:D], W2[D:], Wc)

# --- scband reference (transcript-rebuilt; emitter-appended) ---
"""Pipeline reference for scband-graph-sage-16389595201922 (READ-ONLY COPY).

The authoritative reference and input builder live on the scoring server;
editing this copy changes nothing except your own understanding.
"""

import jax, jax.numpy as jnp
import numpy as np

N_NODES = 100000
D_FEAT = 128
D_HID = 128
N_CLASSES = 41
N2 = 8192  # nodes gathered at input (frontier for layer 1)
N1 = 2048  # dst nodes after layer 1
B = 512    # target batch nodes


def _glorot(key, shape):
    fan_in, fan_out = shape
    limit = float(np.sqrt(6.0 / (fan_in + fan_out)))
    return jax.random.uniform(key, shape, minval=-limit, maxval=limit, dtype=jnp.float32)


def setup_inputs(seed: int = 0) -> dict:
    key = jax.random.key(seed)
    ks = jax.random.split(key, 11)
    features = jax.random.normal(ks[0], (N_NODES, D_FEAT), dtype=jnp.float32)
    src_nodes = jax.random.randint(ks[1], (N2,), 0, N_NODES)
    dstsrc2src_1 = jax.random.randint(ks[2], (N2,), 0, N2)
    dstsrc2dst_1 = jax.random.randint(ks[3], (N1,), 0, N2)
    dif_mat_1 = jax.random.uniform(ks[4], (N1, N2), dtype=jnp.float32) / N2
    dstsrc2src_2 = jax.random.randint(ks[5], (N1,), 0, N1)
    dstsrc2dst_2 = jax.random.randint(ks[6], (B,), 0, N1)
    dif_mat_2 = jax.random.uniform(ks[7], (B, N1), dtype=jnp.float32) / N1
    W1 = _glorot(ks[8], (2 * D_FEAT, D_HID))
    W2 = _glorot(ks[9], (2 * D_HID, D_HID))
    Wc = _glorot(ks[10], (D_HID, N_CLASSES))
    return {
        'features': features,
        'src_nodes': src_nodes,
        'dstsrc2src_1': dstsrc2src_1,
        'dstsrc2dst_1': dstsrc2dst_1,
        'dif_mat_1': dif_mat_1,
        'dstsrc2src_2': dstsrc2src_2,
        'dstsrc2dst_2': dstsrc2dst_2,
        'dif_mat_2': dif_mat_2,
        'W1': W1,
        'W2': W2,
        'Wc': Wc,
    }


def _sage_mean_agg(x, dstsrc2src, dstsrc2dst, dif_mat, W, activ=True):
    # Faithful translation of SageMeanAggregator.call:
    # dst = gather(x, dstsrc2dst); src = gather(x, dstsrc2src)
    # agg = dif_mat @ src; out = activ(concat([dst, agg], 1) @ W)
    dst_features = jnp.take(x, dstsrc2dst, axis=0)
    src_features = jnp.take(x, dstsrc2src, axis=0)
    aggregated = jnp.matmul(dif_mat, src_features)
    concatenated = jnp.concatenate([dst_features, aggregated], axis=1)
    out = jnp.matmul(concatenated, W)
    if activ:
        out = jax.nn.relu(out)
    return out


def reference(features, src_nodes, dstsrc2src_1, dstsrc2dst_1, dif_mat_1,
              dstsrc2src_2, dstsrc2dst_2, dif_mat_2, W1, W2, Wc):
    # x = tf.gather(features, squeeze(src_nodes))
    x = jnp.take(features, src_nodes, axis=0)
    # agg_lv1 (pops last element of each list)
    x = _sage_mean_agg(x, dstsrc2src_1, dstsrc2dst_1, dif_mat_1, W1, activ=True)
    # agg_lv2
    x = _sage_mean_agg(x, dstsrc2src_2, dstsrc2dst_2, dif_mat_2, W2, activ=True)
    # classifier: Dense(num_classes, softmax, no bias)
    logits = jnp.matmul(x, Wc)
    return jax.nn.softmax(logits, axis=-1)

if __name__ == "__main__":
    import jax
    _d = setup_inputs()
    print(jax.jit(kernel)(*tuple(_d.values())))

</pallas_src>

<mosaic_0001>
#map = affine_map<(d0, d1) -> (0, 0)>
#map1 = affine_map<(d0, d1) -> (0)>
module attributes {stable_mosaic.version = 14 : i64} {
  func.func @_sc_gather_l1(%arg0: i32, %arg1: i32, %arg2: memref<100000x128xf32, #tpu.memory_space<hbm>>, %arg3: memref<8192xi32, #tpu.memory_space<hbm>>, %arg4: memref<8192xi32, #tpu.memory_space<hbm>>, %arg5: memref<2048xi32, #tpu.memory_space<hbm>>, %arg6: memref<8192x128xf32, #tpu.memory_space<hbm>>, %arg7: memref<2048x128xf32, #tpu.memory_space<hbm>>, %arg8: memref<256xi32, #tpu.memory_space<vmem>>, %arg9: memref<64xi32, #tpu.memory_space<vmem>>, %arg10: memref<256xi32, #tpu.memory_space<vmem>>, %arg11: memref<64xi32, #tpu.memory_space<vmem>>, %arg12: memref<256x128xf32, #tpu.memory_space<vmem>>, %arg13: memref<64x128xf32, #tpu.memory_space<vmem>>, %arg14: memref<!tpu.dma_semaphore, #tpu.memory_space<semaphore_mem>>, %arg15: memref<!tpu.dma_semaphore, #tpu.memory_space<semaphore_mem>>) attributes {dimension_semantics = [#tpu.dimension_semantics<core_parallel>, #tpu.dimension_semantics<subcore_parallel>], iteration_bounds = array<i64: 2, 16>, scalar_prefetch = 0 : i64, scratch_operands = 8 : i64, tpu.core_type = #tpu.core_type<sc_vector_subcore>, window_params = [{transform_indices = #map}, {transform_indices = #map1}, {transform_indices = #map1}, {transform_indices = #map1}, {transform_indices = #map}, {transform_indices = #map}]} {
    %mul3A = arith.constant 2 : i32
    %mul3A_0 = arith.muli %arg1, %mul3A : i32
    %add3A = arith.addi %mul3A_0, %arg0 : i32
    %mul3A_1 = arith.constant 256 : i32
    %mul3A_2 = arith.muli %add3A, %mul3A_1 : i32
    %mul3A_3 = arith.constant 64 : i32
    %mul3A_4 = arith.muli %add3A, %mul3A_3 : i32
    "tpu.region"() ({
      %run_scoped3A = tpu.sem_alloc : memref<!tpu.dma_semaphore, #tpu.memory_space<semaphore_mem>>
      %dma_start3A_23 = tpu.memref_slice %arg4[%mul3A_2] : memref<8192xi32, #tpu.memory_space<hbm>> -> memref<256xi32, #tpu.memory_space<hbm>>
      %dma_start3A_24 = tpu.memref_slice %arg4[%mul3A_2] : memref<8192xi32, #tpu.memory_space<hbm>> -> memref<256xi32, #tpu.memory_space<hbm>>
      tpu.enqueue_dma source(%dma_start3A_24 : memref<256xi32, #tpu.memory_space<hbm>>) target(%arg8 : memref<256xi32, #tpu.memory_space<vmem>>) target_semaphore(%run_scoped3A : memref<!tpu.dma_semaphore, #tpu.memory_space<semaphore_mem>>)
      %dma_wait3A_25 = tpu.memref_slice %arg4[%mul3A_2] : memref<8192xi32, #tpu.memory_space<hbm>> -> memref<256xi32, #tpu.memory_space<hbm>>
      %dma_wait3A_26 = tpu.memref_slice %arg4[%mul3A_2] : memref<8192xi32, #tpu.memory_space<hbm>> -> memref<256xi32, #tpu.memory_space<hbm>>
      tpu.wait_dma2 semaphore(%run_scoped3A : memref<!tpu.dma_semaphore, #tpu.memory_space<semaphore_mem>>) src(%dma_wait3A_26 : memref<256xi32, #tpu.memory_space<hbm>>) dst(%arg8 : memref<256xi32, #tpu.memory_space<vmem>>)
      tpu.yield
    }) : () -> ()
    "tpu.region"() ({
      %run_scoped3A = tpu.sem_alloc : memref<!tpu.dma_semaphore, #tpu.memory_space<semaphore_mem>>
      %dma_start3A_23 = tpu.memref_slice %arg5[%mul3A_4] : memref<2048xi32, #tpu.memory_space<hbm>> -> memref<64xi32, #tpu.memory_space<hbm>>
      %dma_start3A_24 = tpu.memref_slice %arg5[%mul3A_4] : memref<2048xi32, #tpu.memory_space<hbm>> -> memref<64xi32, #tpu.memory_space<hbm>>
      tpu.enqueue_dma source(%dma_start3A_24 : memref<64xi32, #tpu.memory_space<hbm>>) target(%arg9 : memref<64xi32, #tpu.memory_space<vmem>>) target_semaphore(%run_scoped3A : memref<!tpu.dma_semaphore, #tpu.memory_space<semaphore_mem>>)
      %dma_wait3A_25 = tpu.memref_slice %arg5[%mul3A_4] : memref<2048xi32, #tpu.memory_space<hbm>> -> memref<64xi32, #tpu.memory_space<hbm>>
      %dma_wait3A_26 = tpu.memref_slice %arg5[%mul3A_4] : memref<2048xi32, #tpu.memory_space<hbm>> -> memref<64xi32, #tpu.memory_space<hbm>>
      tpu.wait_dma2 semaphore(%run_scoped3A : memref<!tpu.dma_semaphore, #tpu.memory_space<semaphore_mem>>) src(%dma_wait3A_26 : memref<64xi32, #tpu.memory_space<hbm>>) dst(%arg9 : memref<64xi32, #tpu.memory_space<vmem>>)
      tpu.yield
    }) : () -> ()
    %dma_start3A = arith.constant 0 : i32
    %dma_start3A_5 = tpu.memref_slice %arg3[%dma_start3A] : memref<8192xi32, #tpu.memory_space<hbm>> -> memref<8192xi32, #tpu.memory_space<hbm>>
    tpu.enqueue_indirect_dma source(%dma_start3A_5 : memref<8192xi32, #tpu.memory_space<hbm>>) target(%arg10 : memref<256xi32, #tpu.memory_space<vmem>>) offsets(%arg8 : memref<256xi32, #tpu.memory_space<vmem>>) semaphore(%arg14 : memref<!tpu.dma_semaphore, #tpu.memory_space<semaphore_mem>>)
    %dma_start3A_6 = arith.constant 0 : i32
    %dma_start3A_7 = tpu.memref_slice %arg3[%dma_start3A_6] : memref<8192xi32, #tpu.memory_space<hbm>> -> memref<8192xi32, #tpu.memory_space<hbm>>
    tpu.enqueue_indirect_dma source(%dma_start3A_7 : memref<8192xi32, #tpu.memory_space<hbm>>) target(%arg11 : memref<64xi32, #tpu.memory_space<vmem>>) offsets(%arg9 : memref<64xi32, #tpu.memory_space<vmem>>) semaphore(%arg15 : memref<!tpu.dma_semaphore, #tpu.memory_space<semaphore_mem>>)
    %dma_wait3A = arith.constant 0 : i32
    %dma_wait3A_8 = tpu.memref_slice %arg3[%dma_wait3A] : memref<8192xi32, #tpu.memory_space<hbm>> -> memref<8192xi32, #tpu.memory_space<hbm>>
    tpu.wait_indirect_dma semaphore(%arg14 : memref<!tpu.dma_semaphore, #tpu.memory_space<semaphore_mem>>) src(%dma_wait3A_8 : memref<8192xi32, #tpu.memory_space<hbm>>) dst(%arg10 : memref<256xi32, #tpu.memory_space<vmem>>)
    %dma_wait3A_9 = arith.constant 0 : i32
    %dma_wait3A_10 = tpu.memref_slice %arg3[%dma_wait3A_9] : memref<8192xi32, #tpu.memory_space<hbm>> -> memref<8192xi32, #tpu.memory_space<hbm>>
    tpu.wait_indirect_dma semaphore(%arg15 : memref<!tpu.dma_semaphore, #tpu.memory_space<semaphore_mem>>) src(%dma_wait3A_10 : memref<8192xi32, #tpu.memory_space<hbm>>) dst(%arg11 : memref<64xi32, #tpu.memory_space<vmem>>)
    %dma_start3A_11 = arith.constant 0 : i32
    %dma_start3A_12 = arith.constant 0 : i32
    %dma_start3A_13 = tpu.memref_slice %arg2[%dma_start3A_11, %dma_start3A_12] : memref<100000x128xf32, #tpu.memory_space<hbm>> -> memref<100000x128xf32, #tpu.memory_space<hbm>>
    tpu.enqueue_indirect_dma source(%dma_start3A_13 : memref<100000x128xf32, #tpu.memory_space<hbm>>) target(%arg12 : memref<256x128xf32, #tpu.memory_space<vmem>>) offsets(%arg10 : memref<256xi32, #tpu.memory_space<vmem>>) semaphore(%arg14 : memref<!tpu.dma_semaphore, #tpu.memory_space<semaphore_mem>>)
    %dma_start3A_14 = arith.constant 0 : i32
    %dma_start3A_15 = arith.constant 0 : i32
    %dma_start3A_16 = tpu.memref_slice %arg2[%dma_start3A_14, %dma_start3A_15] : memref<100000x128xf32, #tpu.memory_space<hbm>> -> memref<100000x128xf32, #tpu.memory_space<hbm>>
    tpu.enqueue_indirect_dma source(%dma_start3A_16 : memref<100000x128xf32, #tpu.memory_space<hbm>>) target(%arg13 : memref<64x128xf32, #tpu.memory_space<vmem>>) offsets(%arg11 : memref<64xi32, #tpu.memory_space<vmem>>) semaphore(%arg15 : memref<!tpu.dma_semaphore, #tpu.memory_space<semaphore_mem>>)
    %dma_wait3A_17 = arith.constant 0 : i32
    %dma_wait3A_18 = arith.constant 0 : i32
    %dma_wait3A_19 = tpu.memref_slice %arg2[%dma_wait3A_17, %dma_wait3A_18] : memref<100000x128xf32, #tpu.memory_space<hbm>> -> memref<100000x128xf32, #tpu.memory_space<hbm>>
    tpu.wait_indirect_dma semaphore(%arg14 : memref<!tpu.dma_semaphore, #tpu.memory_space<semaphore_mem>>) src(%dma_wait3A_19 : memref<100000x128xf32, #tpu.memory_space<hbm>>) dst(%arg12 : memref<256x128xf32, #tpu.memory_space<vmem>>)
    %dma_wait3A_20 = arith.constant 0 : i32
    %dma_wait3A_21 = arith.constant 0 : i32
    %dma_wait3A_22 = tpu.memref_slice %arg2[%dma_wait3A_20, %dma_wait3A_21] : memref<100000x128xf32, #tpu.memory_space<hbm>> -> memref<100000x128xf32, #tpu.memory_space<hbm>>
    tpu.wait_indirect_dma semaphore(%arg15 : memref<!tpu.dma_semaphore, #tpu.memory_space<semaphore_mem>>) src(%dma_wait3A_22 : memref<100000x128xf32, #tpu.memory_space<hbm>>) dst(%arg13 : memref<64x128xf32, #tpu.memory_space<vmem>>)
    "tpu.region"() ({
      %run_scoped3A = tpu.sem_alloc : memref<!tpu.dma_semaphore, #tpu.memory_space<semaphore_mem>>
      %dma_start3A_23 = arith.constant 0 : i32
      %dma_start3A_24 = tpu.memref_slice %arg6[%mul3A_2, %dma_start3A_23] : memref<8192x128xf32, #tpu.memory_space<hbm>> -> memref<256x128xf32, #tpu.memory_space<hbm>>
      %dma_start3A_25 = arith.constant 0 : i32
      %dma_start3A_26 = tpu.memref_slice %arg6[%mul3A_2, %dma_start3A_25] : memref<8192x128xf32, #tpu.memory_space<hbm>> -> memref<256x128xf32, #tpu.memory_space<hbm>>
      tpu.enqueue_dma source(%arg12 : memref<256x128xf32, #tpu.memory_space<vmem>>) target(%dma_start3A_26 : memref<256x128xf32, #tpu.memory_space<hbm>>) target_semaphore(%run_scoped3A : memref<!tpu.dma_semaphore, #tpu.memory_space<semaphore_mem>>)
      %dma_wait3A_27 = arith.constant 0 : i32
      %dma_wait3A_28 = tpu.memref_slice %arg6[%mul3A_2, %dma_wait3A_27] : memref<8192x128xf32, #tpu.memory_space<hbm>> -> memref<256x128xf32, #tpu.memory_space<hbm>>
      %dma_wait3A_29 = arith.constant 0 : i32
      %dma_wait3A_30 = tpu.memref_slice %arg6[%mul3A_2, %dma_wait3A_29] : memref<8192x128xf32, #tpu.memory_space<hbm>> -> memref<256x128xf32, #tpu.memory_space<hbm>>
      tpu.wait_dma2 semaphore(%run_scoped3A : memref<!tpu.dma_semaphore, #tpu.memory_space<semaphore_mem>>) src(%arg12 : memref<256x128xf32, #tpu.memory_space<vmem>>) dst(%dma_wait3A_30 : memref<256x128xf32, #tpu.memory_space<hbm>>)
      tpu.yield
    }) : () -> ()
    "tpu.region"() ({
      %run_scoped3A = tpu.sem_alloc : memref<!tpu.dma_semaphore, #tpu.memory_space<semaphore_mem>>
      %dma_start3A_23 = arith.constant 0 : i32
      %dma_start3A_24 = tpu.memref_slice %arg7[%mul3A_4, %dma_start3A_23] : memref<2048x128xf32, #tpu.memory_space<hbm>> -> memref<64x128xf32, #tpu.memory_space<hbm>>
      %dma_start3A_25 = arith.constant 0 : i32
      %dma_start3A_26 = tpu.memref_slice %arg7[%mul3A_4, %dma_start3A_25] : memref<2048x128xf32, #tpu.memory_space<hbm>> -> memref<64x128xf32, #tpu.memory_space<hbm>>
      tpu.enqueue_dma source(%arg13 : memref<64x128xf32, #tpu.memory_space<vmem>>) target(%dma_start3A_26 : memref<64x128xf32, #tpu.memory_space<hbm>>) target_semaphore(%run_scoped3A : memref<!tpu.dma_semaphore, #tpu.memory_space<semaphore_mem>>)
      %dma_wait3A_27 = arith.constant 0 : i32
      %dma_wait3A_28 = tpu.memref_slice %arg7[%mul3A_4, %dma_wait3A_27] : memref<2048x128xf32, #tpu.memory_space<hbm>> -> memref<64x128xf32, #tpu.memory_space<hbm>>
      %dma_wait3A_29 = arith.constant 0 : i32
      %dma_wait3A_30 = tpu.memref_slice %arg7[%mul3A_4, %dma_wait3A_29] : memref<2048x128xf32, #tpu.memory_space<hbm>> -> memref<64x128xf32, #tpu.memory_space<hbm>>
      tpu.wait_dma2 semaphore(%run_scoped3A : memref<!tpu.dma_semaphore, #tpu.memory_space<semaphore_mem>>) src(%arg13 : memref<64x128xf32, #tpu.memory_space<vmem>>) dst(%dma_wait3A_30 : memref<64x128xf32, #tpu.memory_space<hbm>>)
      tpu.yield
    }) : () -> ()
    return
  }
}

module attributes {stable_mosaic.version = 14 : i64} {
  func.func @_tc_fused_body(%arg0: i32, %arg1: memref<2048x8192xf32, #tpu.memory_space<any>>, %arg2: memref<512x2048xf32, #tpu.memory_space<any>>, %arg3: memref<8192x128xf32, #tpu.memory_space<vmem>>, %arg4: memref<256x128xf32, #tpu.memory_space<vmem>>, %arg5: memref<128x128xf32, #tpu.memory_space<vmem>>, %arg6: memref<128x128xf32, #tpu.memory_space<vmem>>, %arg7: memref<2048x1xi32, #tpu.memory_space<vmem>>, %arg8: memref<512x1xi32, #tpu.memory_space<vmem>>, %arg9: memref<128x128xf32, #tpu.memory_space<vmem>>, %arg10: memref<128x128xf32, #tpu.memory_space<vmem>>, %arg11: memref<128x41xf32, #tpu.memory_space<vmem>>, %arg12: memref<512x41xf32, #tpu.memory_space<vmem>>, %arg13: memref<8192x128xbf16, #tpu.memory_space<vmem>>, %arg14: memref<2048x128xf32, #tpu.memory_space<vmem>>, %arg15: memref<256x8192xf32, #tpu.memory_space<vmem>>, %arg16: memref<256x8192xf32, #tpu.memory_space<vmem>>, %arg17: memref<512x2048xf32, #tpu.memory_space<vmem>>, %arg18: memref<2x4x!tpu.dma_semaphore, #tpu.memory_space<semaphore_mem>>, %arg19: memref<!tpu.dma_semaphore, #tpu.memory_space<semaphore_mem>>) attributes {dimension_semantics = [#tpu.dimension_semantics<arbitrary>], iteration_bounds = array<i64: 8>, scalar_prefetch = 0 : i64, scratch_operands = 7 : i64, tpu.core_type = #tpu.core_type<tc>, window_params = [{}, {}, {pipeline_mode = #tpu.pipeline_mode<synchronous>, transform_indices = @transform_2, window_bounds = array<i64: 8192, 128>}, {transform_indices = @transform_3, window_bounds = array<i64: 256, 128>}, {pipeline_mode = #tpu.pipeline_mode<synchronous>, transform_indices = @transform_4, window_bounds = array<i64: 128, 128>}, {pipeline_mode = #tpu.pipeline_mode<synchronous>, transform_indices = @transform_5, window_bounds = array<i64: 128, 128>}, {pipeline_mode = #tpu.pipeline_mode<synchronous>, transform_indices = @transform_6, window_bounds = array<i64: 2048, 1>}, {pipeline_mode = #tpu.pipeline_mode<synchronous>, transform_indices = @transform_7, window_bounds = array<i64: 512, 1>}, {pipeline_mode = #tpu.pipeline_mode<synchronous>, transform_indices = @transform_8, window_bounds = array<i64: 128, 128>}, {pipeline_mode = #tpu.pipeline_mode<synchronous>, transform_indices = @transform_9, window_bounds = array<i64: 128, 128>}, {pipeline_mode = #tpu.pipeline_mode<synchronous>, transform_indices = @transform_10, window_bounds = array<i64: 128, 41>}, {pipeline_mode = #tpu.pipeline_mode<synchronous>, transform_indices = @transform_11, window_bounds = array<i64: 512, 41>}]} {
    %eq3A = arith.constant 0 : i32
    %eq3A_0 = arith.cmpi eq, %arg0, %eq3A : i32
    %convert_element_type3A = arith.extui %eq3A_0 : i1 to i32
    %cond3A = arith.constant 0 : i32
    %cond3A_1 = arith.cmpi ne, %convert_element_type3A, %cond3A : i32
    scf.if %cond3A_1 {
      %dma_start3A = arith.constant 0 : i32
      %dma_start3A_31 = arith.constant 0 : i32
      %dma_start3A_32 = tpu.memref_slice %arg18[%dma_start3A, %dma_start3A_31] : memref<2x4x!tpu.dma_semaphore, #tpu.memory_space<semaphore_mem>> -> memref<1x1x!tpu.dma_semaphore, #tpu.memory_space<semaphore_mem>>
      %dma_start3A_33 = tpu.memref_squeeze %dma_start3A_32 : memref<1x1x!tpu.dma_semaphore, #tpu.memory_space<semaphore_mem>> -> memref<!tpu.dma_semaphore, #tpu.memory_space<semaphore_mem>>
      %dma_start3A_34 = arith.constant 0 : i32
      %dma_start3A_35 = arith.constant 0 : i32
      %dma_start3A_36 = tpu.memref_slice %arg15[%dma_start3A_34, %dma_start3A_35] : memref<256x8192xf32, #tpu.memory_space<vmem>> -> memref<256x2048xf32, #tpu.memory_space<vmem>>
      %dma_start3A_37 = arith.constant 0 : i32
      %dma_start3A_38 = arith.constant 0 : i32
      %dma_start3A_39 = tpu.memref_slice %arg1[%dma_start3A_37, %dma_start3A_38] : memref<2048x8192xf32, #tpu.memory_space<any>> -> memref<256x2048xf32, #tpu.memory_space<any>>
      tpu.enqueue_dma source(%dma_start3A_39 : memref<256x2048xf32, #tpu.memory_space<any>>) target(%dma_start3A_36 : memref<256x2048xf32, #tpu.memory_space<vmem>>) target_semaphore(%dma_start3A_33 : memref<!tpu.dma_semaphore, #tpu.memory_space<semaphore_mem>>)
      %dma_start3A_40 = arith.constant 0 : i32
      %dma_start3A_41 = arith.constant 1 : i32
      %dma_start3A_42 = tpu.memref_slice %arg18[%dma_start3A_40, %dma_start3A_41] : memref<2x4x!tpu.dma_semaphore, #tpu.memory_space<semaphore_mem>> -> memref<1x1x!tpu.dma_semaphore, #tpu.memory_space<semaphore_mem>>
      %dma_start3A_43 = tpu.memref_squeeze %dma_start3A_42 : memref<1x1x!tpu.dma_semaphore, #tpu.memory_space<semaphore_mem>> -> memref<!tpu.dma_semaphore, #tpu.memory_space<semaphore_mem>>
      %dma_start3A_44 = arith.constant 0 : i32
      %dma_start3A_45 = arith.constant 2048 : i32
      %dma_start3A_46 = tpu.memref_slice %arg15[%dma_start3A_44, %dma_start3A_45] : memref<256x8192xf32, #tpu.memory_space<vmem>> -> memref<256x2048xf32, #tpu.memory_space<vmem>>
      %dma_start3A_47 = arith.constant 0 : i32
      %dma_start3A_48 = arith.constant 2048 : i32
      %dma_start3A_49 = tpu.memref_slice %arg1[%dma_start3A_47, %dma_start3A_48] : memref<2048x8192xf32, #tpu.memory_space<any>> -> memref<256x2048xf32, #tpu.memory_space<any>>
      tpu.enqueue_dma source(%dma_start3A_49 : memref<256x2048xf32, #tpu.memory_space<any>>) target(%dma_start3A_46 : memref<256x2048xf32, #tpu.memory_space<vmem>>) target_semaphore(%dma_start3A_43 : memref<!tpu.dma_semaphore, #tpu.memory_space<semaphore_mem>>)
      %dma_start3A_50 = arith.constant 0 : i32
      %dma_start3A_51 = arith.constant 2 : i32
      %dma_start3A_52 = tpu.memref_slice %arg18[%dma_start3A_50, %dma_start3A_51] : memref<2x4x!tpu.dma_semaphore, #tpu.memory_space<semaphore_mem>> -> memref<1x1x!tpu.dma_semaphore, #tpu.memory_space<semaphore_mem>>
      %dma_start3A_53 = tpu.memref_squeeze %dma_start3A_52 : memref<1x1x!tpu.dma_semaphore, #tpu.memory_space<semaphore_mem>> -> memref<!tpu.dma_semaphore, #tpu.memory_space<semaphore_mem>>
      %dma_start3A_54 = arith.constant 0 : i32
      %dma_start3A_55 = arith.constant 4096 : i32
      %dma_start3A_56 = tpu.memref_slice %arg15[%dma_start3A_54, %dma_start3A_55] : memref<256x8192xf32, #tpu.memory_space<vmem>> -> memref<256x2048xf32, #tpu.memory_space<vmem>>
      %dma_start3A_57 = arith.constant 0 : i32
      %dma_start3A_58 = arith.constant 4096 : i32
      %dma_start3A_59 = tpu.memref_slice %arg1[%dma_start3A_57, %dma_start3A_58] : memref<2048x8192xf32, #tpu.memory_space<any>> -> memref<256x2048xf32, #tpu.memory_space<any>>
      tpu.enqueue_dma source(%dma_start3A_59 : memref<256x2048xf32, #tpu.memory_space<any>>) target(%dma_start3A_56 : memref<256x2048xf32, #tpu.memory_space<vmem>>) target_semaphore(%dma_start3A_53 : memref<!tpu.dma_semaphore, #tpu.memory_space<semaphore_mem>>)
      %dma_start3A_60 = arith.constant 0 : i32
      %dma_start3A_61 = arith.constant 3 : i32
      %dma_start3A_62 = tpu.memref_slice %arg18[%dma_start3A_60, %dma_start3A_61] : memref<2x4x!tpu.dma_semaphore, #tpu.memory_space<semaphore_mem>> -> memref<1x1x!tpu.dma_semaphore, #tpu.memory_space<semaphore_mem>>
      %dma_start3A_63 = tpu.memref_squeeze %dma_start3A_62 : memref<1x1x!tpu.dma_semaphore, #tpu.memory_space<semaphore_mem>> -> memref<!tpu.dma_semaphore, #tpu.memory_space<semaphore_mem>>
      %dma_start3A_64 = arith.constant 0 : i32
      %dma_start3A_65 = arith.constant 6144 : i32
      %dma_start3A_66 = tpu.memref_slice %arg15[%dma_start3A_64, %dma_start3A_65] : memref<256x8192xf32, #tpu.memory_space<vmem>> -> memref<256x2048xf32, #tpu.memory_space<vmem>>
      %dma_start3A_67 = arith.constant 0 : i32
      %dma_start3A_68 = arith.constant 6144 : i32
      %dma_start3A_69 = tpu.memref_slice %arg1[%dma_start3A_67, %dma_start3A_68] : memref<2048x8192xf32, #tpu.memory_space<any>> -> memref<256x2048xf32, #tpu.memory_space<any>>
      tpu.enqueue_dma source(%dma_start3A_69 : memref<256x2048xf32, #tpu.memory_space<any>>) target(%dma_start3A_66 : memref<256x2048xf32, #tpu.memory_space<vmem>>) target_semaphore(%dma_start3A_63 : memref<!tpu.dma_semaphore, #tpu.memory_space<semaphore_mem>>)
      %dma_start3A_70 = arith.constant 1 : i32
      %dma_start3A_71 = arith.constant 0 : i32
      %dma_start3A_72 = tpu.memref_slice %arg18[%dma_start3A_70, %dma_start3A_71] : memref<2x4x!tpu.dma_semaphore, #tpu.memory_space<semaphore_mem>> -> memref<1x1x!tpu.dma_semaphore, #tpu.memory_space<semaphore_mem>>
      %dma_start3A_73 = tpu.memref_squeeze %dma_start3A_72 : memref<1x1x!tpu.dma_semaphore, #tpu.memory_space<semaphore_mem>> -> memref<!tpu.dma_semaphore, #tpu.memory_space<semaphore_mem>>
      %dma_start3A_74 = arith.constant 0 : i32
      %dma_start3A_75 = arith.constant 0 : i32
      %dma_start3A_76 = tpu.memref_slice %arg16[%dma_start3A_74, %dma_start3A_75] : memref<256x8192xf32, #tpu.memory_space<vmem>> -> memref<256x2048xf32, #tpu.memory_space<vmem>>
      %dma_start3A_77 = arith.constant 256 : i32
      %dma_start3A_78 = arith.constant 0 : i32
      %dma_start3A_79 = tpu.memref_slice %arg1[%dma_start3A_77, %dma_start3A_78] : memref<2048x8192xf32, #tpu.memory_space<any>> -> memref<256x2048xf32, #tpu.memory_space<any>>
      tpu.enqueue_dma source(%dma_start3A_79 : memref<256x2048xf32, #tpu.memory_space<any>>) target(%dma_start3A_76 : memref<256x2048xf32, #tpu.memory_space<vmem>>) target_semaphore(%dma_start3A_73 : memref<!tpu.dma_semaphore, #tpu.memory_space<semaphore_mem>>)
      %dma_start3A_80 = arith.constant 1 : i32
      %dma_start3A_81 = arith.constant 1 : i32
      %dma_start3A_82 = tpu.memref_slice %arg18[%dma_start3A_80, %dma_start3A_81] : memref<2x4x!tpu.dma_semaphore, #tpu.memory_space<semaphore_mem>> -> memref<1x1x!tpu.dma_semaphore, #tpu.memory_space<semaphore_mem>>
      %dma_start3A_83 = tpu.memref_squeeze %dma_start3A_82 : memref<1x1x!tpu.dma_semaphore, #tpu.memory_space<semaphore_mem>> -> memref<!tpu.dma_semaphore, #tpu.memory_space<semaphore_mem>>
      %dma_start3A_84 = arith.constant 0 : i32
      %dma_start3A_85 = arith.constant 2048 : i32
      %dma_start3A_86 = tpu.memref_slice %arg16[%dma_start3A_84, %dma_start3A_85] : memref<256x8192xf32, #tpu.memory_space<vmem>> -> memref<256x2048xf32, #tpu.memory_space<vmem>>
      %dma_start3A_87 = arith.constant 256 : i32
      %dma_start3A_88 = arith.constant 2048 : i32
      %dma_start3A_89 = tpu.memref_slice %arg1[%dma_start3A_87, %dma_start3A_88] : memref<2048x8192xf32, #tpu.memory_space<any>> -> memref<256x2048xf32, #tpu.memory_space<any>>
      tpu.enqueue_dma source(%dma_start3A_89 : memref<256x2048xf32, #tpu.memory_space<any>>) target(%dma_start3A_86 : memref<256x2048xf32, #tpu.memory_space<vmem>>) target_semaphore(%dma_start3A_83 : memref<!tpu.dma_semaphore, #tpu.memory_space<semaphore_mem>>)
      %dma_start3A_90 = arith.constant 1 : i32
      %dma_start3A_91 = arith.constant 2 : i32
      %dma_start3A_92 = tpu.memref_slice %arg18[%dma_start3A_90, %dma_start3A_91] : memref<2x4x!tpu.dma_semaphore, #tpu.memory_space<semaphore_mem>> -> memref<1x1x!tpu.dma_semaphore, #tpu.memory_space<semaphore_mem>>
      %dma_start3A_93 = tpu.memref_squeeze %dma_start3A_92 : memref<1x1x!tpu.dma_semaphore, #tpu.memory_space<semaphore_mem>> -> memref<!tpu.dma_semaphore, #tpu.memory_space<semaphore_mem>>
      %dma_start3A_94 = arith.constant 0 : i32
      %dma_start3A_95 = arith.constant 4096 : i32
      %dma_start3A_96 = tpu.memref_slice %arg16[%dma_start3A_94, %dma_start3A_95] : memref<256x8192xf32, #tpu.memory_space<vmem>> -> memref<256x2048xf32, #tpu.memory_space<vmem>>
      %dma_start3A_97 = arith.constant 256 : i32
      %dma_start3A_98 = arith.constant 4096 : i32
      %dma_start3A_99 = tpu.memref_slice %arg1[%dma_start3A_97, %dma_start3A_98] : memref<2048x8192xf32, #tpu.memory_space<any>> -> memref<256x2048xf32, #tpu.memory_space<any>>
      tpu.enqueue_dma source(%dma_start3A_99 : memref<256x2048xf32, #tpu.memory_space<any>>) target(%dma_start3A_96 : memref<256x2048xf32, #tpu.memory_space<vmem>>) target_semaphore(%dma_start3A_93 : memref<!tpu.dma_semaphore, #tpu.memory_space<semaphore_mem>>)
      %dma_start3A_100 = arith.constant 1 : i32
      %dma_start3A_101 = arith.constant 3 : i32
      %dma_start3A_102 = tpu.memref_slice %arg18[%dma_start3A_100, %dma_start3A_101] : memref<2x4x!tpu.dma_semaphore, #tpu.memory_space<semaphore_mem>> -> memref<1x1x!tpu.dma_semaphore, #tpu.memory_space<semaphore_mem>>
      %dma_start3A_103 = tpu.memref_squeeze %dma_start3A_102 : memref<1x1x!tpu.dma_semaphore, #tpu.memory_space<semaphore_mem>> -> memref<!tpu.dma_semaphore, #tpu.memory_space<semaphore_mem>>
      %dma_start3A_104 = arith.constant 0 : i32
      %dma_start3A_105 = arith.constant 6144 : i32
      %dma_start3A_106 = tpu.memref_slice %arg16[%dma_start3A_104, %dma_start3A_105] : memref<256x8192xf32, #tpu.memory_space<vmem>> -> memref<256x2048xf32, #tpu.memory_space<vmem>>
      %dma_start3A_107 = arith.constant 256 : i32
      %dma_start3A_108 = arith.constant 6144 : i32
      %dma_start3A_109 = tpu.memref_slice %arg1[%dma_start3A_107, %dma_start3A_108] : memref<2048x8192xf32, #tpu.memory_space<any>> -> memref<256x2048xf32, #tpu.memory_space<any>>
      tpu.enqueue_dma source(%dma_start3A_109 : memref<256x2048xf32, #tpu.memory_space<any>>) target(%dma_start3A_106 : memref<256x2048xf32, #tpu.memory_space<vmem>>) target_semaphore(%dma_start3A_103 : memref<!tpu.dma_semaphore, #tpu.memory_space<semaphore_mem>>)
      %get3A = arith.constant 0 : index
      %get3A_110 = arith.constant 0 : index
      %get3A_111 = vector.load %arg3[%get3A, %get3A_110] : memref<8192x128xf32, #tpu.memory_space<vmem>>, vector<8192x128xf32>
      %get3A_112 = arith.constant 0 : index
      %get3A_113 = arith.constant 0 : index
      %get3A_114 = vector.load %arg6[%get3A_112, %get3A_113] : memref<128x128xf32, #tpu.memory_space<vmem>>, vector<128x128xf32>
      %dot_general3A = arith.constant dense<0.000000e+00> : vector<8192x128xf32>
      %dot_general3A_115 = tpu.matmul %get3A_111, %get3A_114, %dot_general3A {dimension_numbers = #tpu.dot_dimension_numbers<[1], [0], [0], [1], [0, 0, 1, 1], [], []>, transpose_lhs_hint = false} : vector<8192x128xf32>, vector<128x128xf32>, vector<8192x128xf32> -> vector<8192x128xf32>
      %convert_element_type3A_116 = arith.truncf %dot_general3A_115 : vector<8192x128xf32> to vector<8192x128xbf16>
      %swap3A = arith.constant 0 : index
      %swap3A_117 = arith.constant 0 : index
      %swap3A_118 = vector.load %arg13[%swap3A, %swap3A_117] : memref<8192x128xbf16, #tpu.memory_space<vmem>>, vector<8192x128xbf16>
      tpu.vector_store %arg13[%swap3A, %swap3A_117], %convert_element_type3A_116 {strides = array<i32>} : memref<8192x128xbf16, #tpu.memory_space<vmem>>, vector<8192x128xbf16>,
    } else {
    }
    %gt3A = arith.constant 0 : i32
    %gt3A_2 = arith.cmpi sgt, %arg0, %gt3A : i32
    %add3A = arith.constant 1 : i32
    %add3A_3 = arith.addi %arg0, %add3A : i32
    %lt3A = arith.constant 8 : i32
    %lt3A_4 = arith.cmpi slt, %add3A_3, %lt3A : i32
    %and3A = arith.andi %gt3A_2, %lt3A_4 : i1
    %convert_element_type3A_5 = arith.extui %and3A : i1 to i32
    %cond3A_6 = arith.constant 0 : i32
    %cond3A_7 = arith.cmpi ne, %convert_element_type3A_5, %cond3A_6 : i32
    scf.if %cond3A_7 {
      %add3A_31 = arith.constant 1 : i32
      %add3A_32 = arith.addi %arg0, %add3A_31 : i32
      %rem3A_33 = arith.constant 2 : i32
      %rem3A_34 = arith.remsi %add3A_32, %rem3A_33 : i32
      %eq3A_35 = arith.constant 0 : i32
      %eq3A_36 = arith.cmpi eq, %rem3A_34, %eq3A_35 : i32
      %convert_element_type3A_37 = arith.extui %eq3A_36 : i1 to i32
      %cond3A_38 = arith.constant 0 : i32
      %cond3A_39 = arith.cmpi ne, %convert_element_type3A_37, %cond3A_38 : i32
      scf.if %cond3A_39 {
        %add3A_49 = arith.constant 1 : i32
        %add3A_50 = arith.addi %arg0, %add3A_49 : i32
        %mul3A = arith.constant 256 : i32
        %mul3A_51 = arith.muli %add3A_50, %mul3A : i32
        %dma_start3A = arith.constant 0 : i32
        %dma_start3A_52 = arith.constant 0 : i32
        %dma_start3A_53 = tpu.memref_slice %arg18[%dma_start3A, %dma_start3A_52] : memref<2x4x!tpu.dma_semaphore, #tpu.memory_space<semaphore_mem>> -> memref<1x1x!tpu.dma_semaphore, #tpu.memory_space<semaphore_mem>>
        %dma_start3A_54 = tpu.memref_squeeze %dma_start3A_53 : memref<1x1x!tpu.dma_semaphore, #tpu.memory_space<semaphore_mem>> -> memref<!tpu.dma_semaphore, #tpu.memory_space<semaphore_mem>>
        %dma_start3A_55 = arith.constant 0 : i32
        %dma_start3A_56 = arith.constant 0 : i32
        %dma_start3A_57 = tpu.memref_slice %arg15[%dma_start3A_55, %dma_start3A_56] : memref<256x8192xf32, #tpu.memory_space<vmem>> -> memref<256x2048xf32, #tpu.memory_space<vmem>>
        %dma_start3A_58 = arith.constant 0 : i32
        %dma_start3A_59 = tpu.memref_slice %arg1[%mul3A_51, %dma_start3A_58] : memref<2048x8192xf32, #tpu.memory_space<any>> -> memref<256x2048xf32, #tpu.memory_space<any>>
        tpu.enqueue_dma source(%dma_start3A_59 : memref<256x2048xf32, #tpu.memory_space<any>>) target(%dma_start3A_57 : memref<256x2048xf32, #tpu.memory_space<vmem>>) target_semaphore(%dma_start3A_54 : memref<!tpu.dma_semaphore, #tpu.memory_space<semaphore_mem>>)
        %mul3A_60 = arith.constant 256 : i32
        %mul3A_61 = arith.muli %add3A_50, %mul3A_60 : i32
        %dma_start3A_62 = arith.constant 0 : i32
        %dma_start3A_63 = arith.constant 1 : i32
        %dma_start3A_64 = tpu.memref_slice %arg18[%dma_start3A_62, %dma_start3A_63] : memref<2x4x!tpu.dma_semaphore, #tpu.memory_space<semaphore_mem>> -> memref<1x1x!tpu.dma_semaphore, #tpu.memory_space<semaphore_mem>>
        %dma_start3A_65 = tpu.memref_squeeze %dma_start3A_64 : memref<1x1x!tpu.dma_semaphore, #tpu.memory_space<semaphore_mem>> -> memref<!tpu.dma_semaphore, #tpu.memory_space<semaphore_mem>>
        %dma_start3A_66 = arith.constant 0 : i32
        %dma_start3A_67 = arith.constant 2048 : i32
        %dma_start3A_68 = tpu.memref_slice %arg15[%dma_start3A_66, %dma_start3A_67] : memref<256x8192xf32, #tpu.memory_space<vmem>> -> memref<256x2048xf32, #tpu.memory_space<vmem>>
        %dma_start3A_69 = arith.constant 2048 : i32
        %dma_start3A_70 = tpu.memref_slice %arg1[%mul3A_61, %dma_start3A_69] : memref<2048x8192xf32, #tpu.memory_space<any>> -> memref<256x2048xf32, #tpu.memory_space<any>>
        tpu.enqueue_dma source(%dma_start3A_70 : memref<256x2048xf32, #tpu.memory_space<any>>) target(%dma_start3A_68 : memref<256x2048xf32, #tpu.memory_space<vmem>>) target_semaphore(%dma_start3A_65 : memref<!tpu.dma_semaphore, #tpu.memory_space<semaphore_mem>>)
        %mul3A_71 = arith.constant 256 : i32
        %mul3A_72 = arith.muli %add3A_50, %mul3A_71 : i32
        %dma_start3A_73 = arith.constant 0 : i32
        %dma_start3A_74 = arith.constant 2 : i32
        %dma_start3A_75 = tpu.memref_slice %arg18[%dma_start3A_73, %dma_start3A_74] : memref<2x4x!tpu.dma_semaphore, #tpu.memory_space<semaphore_mem>> -> memref<1x1x!tpu.dma_semaphore, #tpu.memory_space<semaphore_mem>>
        %dma_start3A_76 = tpu.memref_squeeze %dma_start3A_75 : memref<1x1x!tpu.dma_semaphore, #tpu.memory_space<semaphore_mem>> -> memref<!tpu.dma_semaphore, #tpu.memory_space<semaphore_mem>>
        %dma_start3A_77 = arith.constant 0 : i32
        %dma_start3A_78 = arith.constant 4096 : i32
        %dma_start3A_79 = tpu.memref_slice %arg15[%dma_start3A_77, %dma_start3A_78] : memref<256x8192xf32, #tpu.memory_space<vmem>> -> memref<256x2048xf32, #tpu.memory_space<vmem>>
        %dma_start3A_80 = arith.constant 4096 : i32
        %dma_start3A_81 = tpu.memref_slice %arg1[%mul3A_72, %dma_start3A_80] : memref<2048x8192xf32, #tpu.memory_space<any>> -> memref<256x2048xf32, #tpu.memory_space<any>>
        tpu.enqueue_dma source(%dma_start3A_81 : memref<256x2048xf32, #tpu.memory_space<any>>) target(%dma_start3A_79 : memref<256x2048xf32, #tpu.memory_space<vmem>>) target_semaphore(%dma_start3A_76 : memref<!tpu.dma_semaphore, #tpu.memory_space<semaphore_mem>>)
        %mul3A_82 = arith.constant 256 : i32
        %mul3A_83 = arith.muli %add3A_50, %mul3A_82 : i32
        %dma_start3A_84 = arith.constant 0 : i32
        %dma_start3A_85 = arith.constant 3 : i32
        %dma_start3A_86 = tpu.memref_slice %arg18[%dma_start3A_84, %dma_start3A_85] : memref<2x4x!tpu.dma_semaphore, #tpu.memory_space<semaphore_mem>> -> memref<1x1x!tpu.dma_semaphore, #tpu.memory_space<semaphore_mem>>
        %dma_start3A_87 = tpu.memref_squeeze %dma_start3A_86 : memref<1x1x!tpu.dma_semaphore, #tpu.memory_space<semaphore_mem>> -> memref<!tpu.dma_semaphore, #tpu.memory_space<semaphore_mem>>
        %dma_start3A_88 = arith.constant 0 : i32
        %dma_start3A_89 = arith.constant 6144 : i32
        %dma_start3A_90 = tpu.memref_slice %arg15[%dma_start3A_88, %dma_start3A_89] : memref<256x8192xf32, #tpu.memory_space<vmem>> -> memref<256x2048xf32, #tpu.memory_space<vmem>>
        %dma_start3A_91 = arith.constant 6144 : i32
        %dma_start3A_92 = tpu.memref_slice %arg1[%mul3A_83, %dma_start3A_91] : memref<2048x8192xf32, #tpu.memory_space<any>> -> memref<256x2048xf32, #tpu.memory_space<any>>
        tpu.enqueue_dma source(%dma_start3A_92 : memref<256x2048xf32, #tpu.memory_space<any>>) target(%dma_start3A_90 : memref<256x2048xf32, #tpu.memory_space<vmem>>) target_semaphore(%dma_start3A_87 : memref<!tpu.dma_semaphore, #tpu.memory_space<semaphore_mem>>)
      } else {
      }
      %add3A_40 = arith.constant 1 : i32
      %add3A_41 = arith.addi %arg0, %add3A_40 : i32
      %rem3A_42 = arith.constant 2 : i32
      %rem3A_43 = arith.remsi %add3A_41, %rem3A_42 : i32
      %eq3A_44 = arith.constant 1 : i32
      %eq3A_45 = arith.cmpi eq, %rem3A_43, %eq3A_44 : i32
      %convert_element_type3A_46 = arith.extui %eq3A_45 : i1 to i32
      %cond3A_47 = arith.constant 0 : i32
      %cond3A_48 = arith.cmpi ne, %convert_element_type3A_46, %cond3A_47 : i32
      scf.if %cond3A_48 {
        %add3A_49 = arith.constant 1 : i32
        %add3A_50 = arith.addi %arg0, %add3A_49 : i32
        %mul3A = arith.constant 256 : i32
        %mul3A_51 = arith.muli %add3A_50, %mul3A : i32
        %dma_start3A = arith.constant 1 : i32
        %dma_start3A_52 = arith.constant 0 : i32
        %dma_start3A_53 = tpu.memref_slice %arg18[%dma_start3A, %dma_start3A_52] : memref<2x4x!tpu.dma_semaphore, #tpu.memory_space<semaphore_mem>> -> memref<1x1x!tpu.dma_semaphore, #tpu.memory_space<semaphore_mem>>
        %dma_start3A_54 = tpu.memref_squeeze %dma_start3A_53 : memref<1x1x!tpu.dma_semaphore, #tpu.memory_space<semaphore_mem>> -> memref<!tpu.dma_semaphore, #tpu.memory_space<semaphore_mem>>
        %dma_start3A_55 = arith.constant 0 : i32
        %dma_start3A_56 = arith.constant 0 : i32
        %dma_start3A_57 = tpu.memref_slice %arg16[%dma_start3A_55, %dma_start3A_56] : memref<256x8192xf32, #tpu.memory_space<vmem>> -> memref<256x2048xf32, #tpu.memory_space<vmem>>
        %dma_start3A_58 = arith.constant 0 : i32
        %dma_start3A_59 = tpu.memref_slice %arg1[%mul3A_51, %dma_start3A_58] : memref<2048x8192xf32, #tpu.memory_space<any>> -> memref<256x2048xf32, #tpu.memory_space<any>>
        tpu.enqueue_dma source(%dma_start3A_59 : memref<256x2048xf32, #tpu.memory_space<any>>) target(%dma_start3A_57 : memref<256x2048xf32, #tpu.memory_space<vmem>>) target_semaphore(%dma_start3A_54 : memref<!tpu.dma_semaphore, #tpu.memory_space<semaphore_mem>>)
        %mul3A_60 = arith.constant 256 : i32
        %mul3A_61 = arith.muli %add3A_50, %mul3A_60 : i32
        %dma_start3A_62 = arith.constant 1 : i32
        %dma_start3A_63 = arith.constant 1 : i32
        %dma_start3A_64 = tpu.memref_slice %arg18[%dma_start3A_62, %dma_start3A_63] : memref<2x4x!tpu.dma_semaphore, #tpu.memory_space<semaphore_mem>> -> memref<1x1x!tpu.dma_semaphore, #tpu.memory_space<semaphore_mem>>
        %dma_start3A_65 = tpu.memref_squeeze %dma_start3A_64 : memref<1x1x!tpu.dma_semaphore, #tpu.memory_space<semaphore_mem>> -> memref<!tpu.dma_semaphore, #tpu.memory_space<semaphore_mem>>
        %dma_start3A_66 = arith.constant 0 : i32
        %dma_start3A_67 = arith.constant 2048 : i32
        %dma_start3A_68 = tpu.memref_slice %arg16[%dma_start3A_66, %dma_start3A_67] : memref<256x8192xf32, #tpu.memory_space<vmem>> -> memref<256x2048xf32, #tpu.memory_space<vmem>>
        %dma_start3A_69 = arith.constant 2048 : i32
        %dma_start3A_70 = tpu.memref_slice %arg1[%mul3A_61, %dma_start3A_69] : memref<2048x8192xf32, #tpu.memory_space<any>> -> memref<256x2048xf32, #tpu.memory_space<any>>
        tpu.enqueue_dma source(%dma_start3A_70 : memref<256x2048xf32, #tpu.memory_space<any>>) target(%dma_start3A_68 : memref<256x2048xf32, #tpu.memory_space<vmem>>) target_semaphore(%dma_start3A_65 : memref<!tpu.dma_semaphore, #tpu.memory_space<semaphore_mem>>)
        %mul3A_71 = arith.constant 256 : i32
        %mul3A_72 = arith.muli %add3A_50, %mul3A_71 : i32
        %dma_start3A_73 = arith.constant 1 : i32
        %dma_start3A_74 = arith.constant 2 : i32
        %dma_start3A_75 = tpu.memref_slice %arg18[%dma_start3A_73, %dma_start3A_74] : memref<2x4x!tpu.dma_semaphore, #tpu.memory_space<semaphore_mem>> -> memref<1x1x!tpu.dma_semaphore, #tpu.memory_space<semaphore_mem>>
        %dma_start3A_76 = tpu.memref_squeeze %dma_start3A_75 : memref<1x1x!tpu.dma_semaphore, #tpu.memory_space<semaphore_mem>> -> memref<!tpu.dma_semaphore, #tpu.memory_space<semaphore_mem>>
        %dma_start3A_77 = arith.constant 0 : i32
        %dma_start3A_78 = arith.constant 4096 : i32
        %dma_start3A_79 = tpu.memref_slice %arg16[%dma_start3A_77, %dma_start3A_78] : memref<256x8192xf32, #tpu.memory_space<vmem>> -> memref<256x2048xf32, #tpu.memory_space<vmem>>
        %dma_start3A_80 = arith.constant 4096 : i32
        %dma_start3A_81 = tpu.memref_slice %arg1[%mul3A_72, %dma_start3A_80] : memref<2048x8192xf32, #tpu.memory_space<any>> -> memref<256x2048xf32, #tpu.memory_space<any>>
        tpu.enqueue_dma source(%dma_start3A_81 : memref<256x2048xf32, #tpu.memory_space<any>>) target(%dma_start3A_79 : memref<256x2048xf32, #tpu.memory_space<vmem>>) target_semaphore(%dma_start3A_76 : memref<!tpu.dma_semaphore, #tpu.memory_space<semaphore_mem>>)
        %mul3A_82 = arith.constant 256 : i32
        %mul3A_83 = arith.muli %add3A_50, %mul3A_82 : i32
        %dma_start3A_84 = arith.constant 1 : i32
        %dma_start3A_85 = arith.constant 3 : i32
        %dma_start3A_86 = tpu.memref_slice %arg18[%dma_start3A_84, %dma_start3A_85] : memref<2x4x!tpu.dma_semaphore, #tpu.memory_space<semaphore_mem>> -> memref<1x1x!tpu.dma_semaphore, #tpu.memory_space<semaphore_mem>>
        %dma_start3A_87 = tpu.memref_squeeze %dma_start3A_86 : memref<1x1x!tpu.dma_semaphore, #tpu.memory_space<semaphore_mem>> -> memref<!tpu.dma_semaphore, #tpu.memory_space<semaphore_mem>>
        %dma_start3A_88 = arith.constant 0 : i32
        %dma_start3A_89 = arith.constant 6144 : i32
        %dma_start3A_90 = tpu.memref_slice %arg16[%dma_start3A_88, %dma_start3A_89] : memref<256x8192xf32, #tpu.memory_space<vmem>> -> memref<256x2048xf32, #tpu.memory_space<vmem>>
        %dma_start3A_91 = arith.constant 6144 : i32
        %dma_start3A_92 = tpu.memref_slice %arg1[%mul3A_83, %dma_start3A_91] : memref<2048x8192xf32, #tpu.memory_space<any>> -> memref<256x2048xf32, #tpu.memory_space<any>>
        tpu.enqueue_dma source(%dma_start3A_92 : memref<256x2048xf32, #tpu.memory_space<any>>) target(%dma_start3A_90 : memref<256x2048xf32, #tpu.memory_space<vmem>>) target_semaphore(%dma_start3A_87 : memref<!tpu.dma_semaphore, #tpu.memory_space<semaphore_mem>>)
      } else {
      }
    } else {
    }
    %eq3A_8 = arith.constant 6 : i32
    %eq3A_9 = arith.cmpi eq, %arg0, %eq3A_8 : i32
    %convert_element_type3A_10 = arith.extui %eq3A_9 : i1 to i32
    %cond3A_11 = arith.constant 0 : i32
    %cond3A_12 = arith.cmpi ne, %convert_element_type3A_10, %cond3A_11 : i32
    scf.if %cond3A_12 {
      tpu.enqueue_dma source(%arg2 : memref<512x2048xf32, #tpu.memory_space<any>>) target(%arg17 : memref<512x2048xf32, #tpu.memory_space<vmem>>) target_semaphore(%arg19 : memref<!tpu.dma_semaphore, #tpu.memory_space<semaphore_mem>>)
    } else {
    }
    %rem3A = arith.constant 2 : i32
    %rem3A_13 = arith.remsi %arg0, %rem3A : i32
    %eq3A_14 = arith.constant 0 : i32
    %eq3A_15 = arith.cmpi eq, %rem3A_13, %eq3A_14 : i32
    %convert_element_type3A_16 = arith.extui %eq3A_15 : i1 to i32
    %cond3A_17 = arith.constant 0 : i32
    %cond3A_18 = arith.cmpi ne, %convert_element_type3A_16, %cond3A_17 : i32
    scf.if %cond3A_18 {
      %mul3A = arith.constant 256 : i32
      %mul3A_31 = arith.muli %arg0, %mul3A : i32
      %dma_wait3A = arith.constant 0 : i32
      %dma_wait3A_32 = arith.constant 0 : i32
      %dma_wait3A_33 = tpu.memref_slice %arg18[%dma_wait3A, %dma_wait3A_32] : memref<2x4x!tpu.dma_semaphore, #tpu.memory_space<semaphore_mem>> -> memref<1x1x!tpu.dma_semaphore, #tpu.memory_space<semaphore_mem>>
      %dma_wait3A_34 = tpu.memref_squeeze %dma_wait3A_33 : memref<1x1x!tpu.dma_semaphore, #tpu.memory_space<semaphore_mem>> -> memref<!tpu.dma_semaphore, #tpu.memory_space<semaphore_mem>>
      %dma_wait3A_35 = arith.constant 0 : i32
      %dma_wait3A_36 = arith.constant 0 : i32
      %dma_wait3A_37 = tpu.memref_slice %arg15[%dma_wait3A_35, %dma_wait3A_36] : memref<256x8192xf32, #tpu.memory_space<vmem>> -> memref<256x2048xf32, #tpu.memory_space<vmem>>
      %dma_wait3A_38 = arith.constant 0 : i32
      %dma_wait3A_39 = tpu.memref_slice %arg1[%mul3A_31, %dma_wait3A_38] : memref<2048x8192xf32, #tpu.memory_space<any>> -> memref<256x2048xf32, #tpu.memory_space<any>>
      tpu.wait_dma2 semaphore(%dma_wait3A_34 : memref<!tpu.dma_semaphore, #tpu.memory_space<semaphore_mem>>) src(%dma_wait3A_39 : memref<256x2048xf32, #tpu.memory_space<any>>) dst(%dma_wait3A_37 : memref<256x2048xf32, #tpu.memory_space<vmem>>)
      %mul3A_40 = arith.constant 256 : i32
      %mul3A_41 = arith.muli %arg0, %mul3A_40 : i32
      %dma_wait3A_42 = arith.constant 0 : i32
      %dma_wait3A_43 = arith.constant 1 : i32
      %dma_wait3A_44 = tpu.memref_slice %arg18[%dma_wait3A_42, %dma_wait3A_43] : memref<2x4x!tpu.dma_semaphore, #tpu.memory_space<semaphore_mem>> -> memref<1x1x!tpu.dma_semaphore, #tpu.memory_space<semaphore_mem>>
      %dma_wait3A_45 = tpu.memref_squeeze %dma_wait3A_44 : memref<1x1x!tpu.dma_semaphore, #tpu.memory_space<semaphore_mem>> -> memref<!tpu.dma_semaphore, #tpu.memory_space<semaphore_mem>>
      %dma_wait3A_46 = arith.constant 0 : i32
      %dma_wait3A_47 = arith.constant 2048 : i32
      %dma_wait3A_48 = tpu.memref_slice %arg15[%dma_wait3A_46, %dma_wait3A_47] : memref<256x8192xf32, #tpu.memory_space<vmem>> -> memref<256x2048xf32, #tpu.memory_space<vmem>>
      %dma_wait3A_49 = arith.constant 2048 : i32
      %dma_wait3A_50 = tpu.memref_slice %arg1[%mul3A_41, %dma_wait3A_49] : memref<2048x8192xf32, #tpu.memory_space<any>> -> memref<256x2048xf32, #tpu.memory_space<any>>
      tpu.wait_dma2 semaphore(%dma_wait3A_45 : memref<!tpu.dma_semaphore, #tpu.memory_space<semaphore_mem>>) src(%dma_wait3A_50 : memref<256x2048xf32, #tpu.memory_space<any>>) dst(%dma_wait3A_48 : memref<256x2048xf32, #tpu.memory_space<vmem>>)
      %mul3A_51 = arith.constant 256 : i32
      %mul3A_52 = arith.muli %arg0, %mul3A_51 : i32
      %dma_wait3A_53 = arith.constant 0 : i32
      %dma_wait3A_54 = arith.constant 2 : i32
      %dma_wait3A_55 = tpu.memref_slice %arg18[%dma_wait3A_53, %dma_wait3A_54] : memref<2x4x!tpu.dma_semaphore, #tpu.memory_space<semaphore_mem>> -> memref<1x1x!tpu.dma_semaphore, #tpu.memory_space<semaphore_mem>>
      %dma_wait3A_56 = tpu.memref_squeeze %dma_wait3A_55 : memref<1x1x!tpu.dma_semaphore, #tpu.memory_space<semaphore_mem>> -> memref<!tpu.dma_semaphore, #tpu.memory_space<semaphore_mem>>
      %dma_wait3A_57 = arith.constant 0 : i32
      %dma_wait3A_58 = arith.constant 4096 : i32
      %dma_wait3A_59 = tpu.memref_slice %arg15[%dma_wait3A_57, %dma_wait3A_58] : memref<256x8192xf32, #tpu.memory_space<vmem>> -> memref<256x2048xf32, #tpu.memory_space<vmem>>
      %dma_wait3A_60 = arith.constant 4096 : i32
      %dma_wait3A_61 = tpu.memref_slice %arg1[%mul3A_52, %dma_wait3A_60] : memref<2048x8192xf32, #tpu.memory_space<any>> -> memref<256x2048xf32, #tpu.memory_space<any>>
      tpu.wait_dma2 semaphore(%dma_wait3A_56 : memref<!tpu.dma_semaphore, #tpu.memory_space<semaphore_mem>>) src(%dma_wait3A_61 : memref<256x2048xf32, #tpu.memory_space<any>>) dst(%dma_wait3A_59 : memref<256x2048xf32, #tpu.memory_space<vmem>>)
      %mul3A_62 = arith.constant 256 : i32
      %mul3A_63 = arith.muli %arg0, %mul3A_62 : i32
      %dma_wait3A_64 = arith.constant 0 : i32
      %dma_wait3A_65 = arith.constant 3 : i32
      %dma_wait3A_66 = tpu.memref_slice %arg18[%dma_wait3A_64, %dma_wait3A_65] : memref<2x4x!tpu.dma_semaphore, #tpu.memory_space<semaphore_mem>> -> memref<1x1x!tpu.dma_semaphore, #tpu.memory_space<semaphore_mem>>
      %dma_wait3A_67 = tpu.memref_squeeze %dma_wait3A_66 : memref<1x1x!tpu.dma_semaphore, #tpu.memory_space<semaphore_mem>> -> memref<!tpu.dma_semaphore, #tpu.memory_space<semaphore_mem>>
      %dma_wait3A_68 = arith.constant 0 : i32
      %dma_wait3A_69 = arith.constant 6144 : i32
      %dma_wait3A_70 = tpu.memref_slice %arg15[%dma_wait3A_68, %dma_wait3A_69] : memref<256x8192xf32, #tpu.memory_space<vmem>> -> memref<256x2048xf32, #tpu.memory_space<vmem>>
      %dma_wait3A_71 = arith.constant 6144 : i32
      %dma_wait3A_72 = tpu.memref_slice %arg1[%mul3A_63, %dma_wait3A_71] : memref<2048x8192xf32, #tpu.memory_space<any>> -> memref<256x2048xf32, #tpu.memory_space<any>>
      tpu.wait_dma2 semaphore(%dma_wait3A_67 : memref<!tpu.dma_semaphore, #tpu.memory_space<semaphore_mem>>) src(%dma_wait3A_72 : memref<256x2048xf32, #tpu.memory_space<any>>) dst(%dma_wait3A_70 : memref<256x2048xf32, #tpu.memory_space<vmem>>)
      %get3A = arith.constant 0 : index
      %get3A_73 = arith.constant 0 : index
      %get3A_74 = vector.load %arg4[%get3A, %get3A_73] : memref<256x128xf32, #tpu.memory_space<vmem>>, vector<256x128xf32>
      %get3A_75 = arith.constant 0 : index
      %get3A_76 = arith.constant 0 : index
      %get3A_77 = vector.load %arg5[%get3A_75, %get3A_76] : memref<128x128xf32, #tpu.memory_space<vmem>>, vector<128x128xf32>
      %dot_general3A = arith.constant dense<0.000000e+00> : vector<256x128xf32>
      %dot_general3A_78 = tpu.matmul %get3A_74, %get3A_77, %dot_general3A {dimension_numbers = #tpu.dot_dimension_numbers<[1], [0], [0], [1], [0, 0, 1, 1], [], []>, transpose_lhs_hint = false} : vector<256x128xf32>, vector<128x128xf32>, vector<256x128xf32> -> vector<256x128xf32>
      %get3A_79 = arith.constant 0 : index
      %get3A_80 = arith.constant 0 : index
      %get3A_81 = vector.load %arg15[%get3A_79, %get3A_80] : memref<256x8192xf32, #tpu.memory_space<vmem>>, vector<256x8192xf32>
      %convert_element_type3A_82 = arith.truncf %get3A_81 : vector<256x8192xf32> to vector<256x8192xbf16>
      %get3A_83 = arith.constant 0 : index
      %get3A_84 = arith.constant 0 : index
      %get3A_85 = vector.load %arg13[%get3A_83, %get3A_84] : memref<8192x128xbf16, #tpu.memory_space<vmem>>, vector<8192x128xbf16>
      %dot_general3A_86 = arith.constant dense<0.000000e+00> : vector<256x128xf32>
      %dot_general3A_87 = tpu.matmul %convert_element_type3A_82, %get3A_85, %dot_general3A_86 {dimension_numbers = #tpu.dot_dimension_numbers<[1], [0], [0], [1], [0, 0, 1, 1], [], []>, transpose_lhs_hint = false} : vector<256x8192xbf16>, vector<8192x128xbf16>, vector<256x128xf32> -> vector<256x128xf32>
      %add3A_88 = arith.addf %dot_general3A_78, %dot_general3A_87 : vector<256x128xf32>
      %max3A = arith.constant 0.000000e+00 : f32
      %max3A_89 = vector.broadcast %max3A : f32 to vector<256x128xf32>
      %max3A_90 = arith.maximumf %add3A_88, %max3A_89 : vector<256x128xf32>
      %mul3A_91 = arith.constant 256 : i32
      %mul3A_92 = arith.muli %arg0, %mul3A_91 : i32
      %swap3A = arith.index_cast %mul3A_92 : i32 to index
      %swap3A_93 = arith.constant 0 : index
      %swap3A_94 = vector.load %arg14[%swap3A, %swap3A_93] : memref<2048x128xf32, #tpu.memory_space<vmem>>, vector<256x128xf32>
      tpu.vector_store %arg14[%swap3A, %swap3A_93], %max3A_90 {strides = array<i32>} : memref<2048x128xf32, #tpu.memory_space<vmem>>, vector<256x128xf32>,
    } else {
    }
    %rem3A_19 = arith.constant 2 : i32
    %rem3A_20 = arith.remsi %arg0, %rem3A_19 : i32
    %eq3A_21 = arith.constant 1 : i32
    %eq3A_22 = arith.cmpi eq, %rem3A_20, %eq3A_21 : i32
    %convert_element_type3A_23 = arith.extui %eq3A_22 : i1 to i32
    %cond3A_24 = arith.constant 0 : i32
    %cond3A_25 = arith.cmpi ne, %convert_element_type3A_23, %cond3A_24 : i32
    scf.if %cond3A_25 {
      %mul3A = arith.constant 256 : i32
      %mul3A_31 = arith.muli %arg0, %mul3A : i32
      %dma_wait3A = arith.constant 1 : i32
      %dma_wait3A_32 = arith.constant 0 : i32
      %dma_wait3A_33 = tpu.memref_slice %arg18[%dma_wait3A, %dma_wait3A_32] : memref<2x4x!tpu.dma_semaphore, #tpu.memory_space<semaphore_mem>> -> memref<1x1x!tpu.dma_semaphore, #tpu.memory_space<semaphore_mem>>
      %dma_wait3A_34 = tpu.memref_squeeze %dma_wait3A_33 : memref<1x1x!tpu.dma_semaphore, #tpu.memory_space<semaphore_mem>> -> memref<!tpu.dma_semaphore, #tpu.memory_space<semaphore_mem>>
      %dma_wait3A_35 = arith.constant 0 : i32
      %dma_wait3A_36 = arith.constant 0 : i32
      %dma_wait3A_37 = tpu.memref_slice %arg16[%dma_wait3A_35, %dma_wait3A_36] : memref<256x8192xf32, #tpu.memory_space<vmem>> -> memref<256x2048xf32, #tpu.memory_space<vmem>>
      %dma_wait3A_38 = arith.constant 0 : i32
      %dma_wait3A_39 = tpu.memref_slice %arg1[%mul3A_31, %dma_wait3A_38] : memref<2048x8192xf32, #tpu.memory_space<any>> -> memref<256x2048xf32, #tpu.memory_space<any>>
      tpu.wait_dma2 semaphore(%dma_wait3A_34 : memref<!tpu.dma_semaphore, #tpu.memory_space<semaphore_mem>>) src(%dma_wait3A_39 : memref<256x2048xf32, #tpu.memory_space<any>>) dst(%dma_wait3A_37 : memref<256x2048xf32, #tpu.memory_space<vmem>>)
      %mul3A_40 = arith.constant 256 : i32
      %mul3A_41 = arith.muli %arg0, %mul3A_40 : i32
      %dma_wait3A_42 = arith.constant 1 : i32
      %dma_wait3A_43 = arith.constant 1 : i32
      %dma_wait3A_44 = tpu.memref_slice %arg18[%dma_wait3A_42, %dma_wait3A_43] : memref<2x4x!tpu.dma_semaphore, #tpu.memory_space<semaphore_mem>> -> memref<1x1x!tpu.dma_semaphore, #tpu.memory_space<semaphore_mem>>
      %dma_wait3A_45 = tpu.memref_squeeze %dma_wait3A_44 : memref<1x1x!tpu.dma_semaphore, #tpu.memory_space<semaphore_mem>> -> memref<!tpu.dma_semaphore, #tpu.memory_space<semaphore_mem>>
      %dma_wait3A_46 = arith.constant 0 : i32
      %dma_wait3A_47 = arith.constant 2048 : i32
      %dma_wait3A_48 = tpu.memref_slice %arg16[%dma_wait3A_46, %dma_wait3A_47] : memref<256x8192xf32, #tpu.memory_space<vmem>> -> memref<256x2048xf32, #tpu.memory_space<vmem>>
      %dma_wait3A_49 = arith.constant 2048 : i32
      %dma_wait3A_50 = tpu.memref_slice %arg1[%mul3A_41, %dma_wait3A_49] : memref<2048x8192xf32, #tpu.memory_space<any>> -> memref<256x2048xf32, #tpu.memory_space<any>>
      tpu.wait_dma2 semaphore(%dma_wait3A_45 : memref<!tpu.dma_semaphore, #tpu.memory_space<semaphore_mem>>) src(%dma_wait3A_50 : memref<256x2048xf32, #tpu.memory_space<any>>) dst(%dma_wait3A_48 : memref<256x2048xf32, #tpu.memory_space<vmem>>)
      %mul3A_51 = arith.constant 256 : i32
      %mul3A_52 = arith.muli %arg0, %mul3A_51 : i32
      %dma_wait3A_53 = arith.constant 1 : i32
      %dma_wait3A_54 = arith.constant 2 : i32
      %dma_wait3A_55 = tpu.memref_slice %arg18[%dma_wait3A_53, %dma_wait3A_54] : memref<2x4x!tpu.dma_semaphore, #tpu.memory_space<semaphore_mem>> -> memref<1x1x!tpu.dma_semaphore, #tpu.memory_space<semaphore_mem>>
      %dma_wait3A_56 = tpu.memref_squeeze %dma_wait3A_55 : memref<1x1x!tpu.dma_semaphore, #tpu.memory_space<semaphore_mem>> -> memref<!tpu.dma_semaphore, #tpu.memory_space<semaphore_mem>>
      %dma_wait3A_57 = arith.constant 0 : i32
      %dma_wait3A_58 = arith.constant 4096 : i32
      %dma_wait3A_59 = tpu.memref_slice %arg16[%dma_wait3A_57, %dma_wait3A_58] : memref<256x8192xf32, #tpu.memory_space<vmem>> -> memref<256x2048xf32, #tpu.memory_space<vmem>>
      %dma_wait3A_60 = arith.constant 4096 : i32
      %dma_wait3A_61 = tpu.memref_slice %arg1[%mul3A_52, %dma_wait3A_60] : memref<2048x8192xf32, #tpu.memory_space<any>> -> memref<256x2048xf32, #tpu.memory_space<any>>
      tpu.wait_dma2 semaphore(%dma_wait3A_56 : memref<!tpu.dma_semaphore, #tpu.memory_space<semaphore_mem>>) src(%dma_wait3A_61 : memref<256x2048xf32, #tpu.memory_space<any>>) dst(%dma_wait3A_59 : memref<256x2048xf32, #tpu.memory_space<vmem>>)
      %mul3A_62 = arith.constant 256 : i32
      %mul3A_63 = arith.muli %arg0, %mul3A_62 : i32
      %dma_wait3A_64 = arith.constant 1 : i32
      %dma_wait3A_65 = arith.constant 3 : i32
      %dma_wait3A_66 = tpu.memref_slice %arg18[%dma_wait3A_64, %dma_wait3A_65] : memref<2x4x!tpu.dma_semaphore, #tpu.memory_space<semaphore_mem>> -> memref<1x1x!tpu.dma_semaphore, #tpu.memory_space<semaphore_mem>>
      %dma_wait3A_67 = tpu.memref_squeeze %dma_wait3A_66 : memref<1x1x!tpu.dma_semaphore, #tpu.memory_space<semaphore_mem>> -> memref<!tpu.dma_semaphore, #tpu.memory_space<semaphore_mem>>
      %dma_wait3A_68 = arith.constant 0 : i32
      %dma_wait3A_69 = arith.constant 6144 : i32
      %dma_wait3A_70 = tpu.memref_slice %arg16[%dma_wait3A_68, %dma_wait3A_69] : memref<256x8192xf32, #tpu.memory_space<vmem>> -> memref<256x2048xf32, #tpu.memory_space<vmem>>
      %dma_wait3A_71 = arith.constant 6144 : i32
      %dma_wait3A_72 = tpu.memref_slice %arg1[%mul3A_63, %dma_wait3A_71] : memref<2048x8192xf32, #tpu.memory_space<any>> -> memref<256x2048xf32, #tpu.memory_space<any>>
      tpu.wait_dma2 semaphore(%dma_wait3A_67 : memref<!tpu.dma_semaphore, #tpu.memory_space<semaphore_mem>>) src(%dma_wait3A_72 : memref<256x2048xf32, #tpu.memory_space<any>>) dst(%dma_wait3A_70 : memref<256x2048xf32, #tpu.memory_space<vmem>>)
      %get3A = arith.constant 0 : index
      %get3A_73 = arith.constant 0 : index
      %get3A_74 = vector.load %arg4[%get3A, %get3A_73] : memref<256x128xf32, #tpu.memory_space<vmem>>, vector<256x128xf32>
      %get3A_75 = arith.constant 0 : index
      %get3A_76 = arith.constant 0 : index
      %get3A_77 = vector.load %arg5[%get3A_75, %get3A_76] : memref<128x128xf32, #tpu.memory_space<vmem>>, vector<128x128xf32>
      %dot_general3A = arith.constant dense<0.000000e+00> : vector<256x128xf32>
      %dot_general3A_78 = tpu.matmul %get3A_74, %get3A_77, %dot_general3A {dimension_numbers = #tpu.dot_dimension_numbers<[1], [0], [0], [1], [0, 0, 1, 1], [], []>, transpose_lhs_hint = false} : vector<256x128xf32>, vector<128x128xf32>, vector<256x128xf32> -> vector<256x128xf32>
      %get3A_79 = arith.constant 0 : index
      %get3A_80 = arith.constant 0 : index
      %get3A_81 = vector.load %arg16[%get3A_79, %get3A_80] : memref<256x8192xf32, #tpu.memory_space<vmem>>, vector<256x8192xf32>
      %convert_element_type3A_82 = arith.truncf %get3A_81 : vector<256x8192xf32> to vector<256x8192xbf16>
      %get3A_83 = arith.constant 0 : index
      %get3A_84 = arith.constant 0 : index
      %get3A_85 = vector.load %arg13[%get3A_83, %get3A_84] : memref<8192x128xbf16, #tpu.memory_space<vmem>>, vector<8192x128xbf16>
      %dot_general3A_86 = arith.constant dense<0.000000e+00> : vector<256x128xf32>
      %dot_general3A_87 = tpu.matmul %convert_element_type3A_82, %get3A_85, %dot_general3A_86 {dimension_numbers = #tpu.dot_dimension_numbers<[1], [0], [0], [1], [0, 0, 1, 1], [], []>, transpose_lhs_hint = false} : vector<256x8192xbf16>, vector<8192x128xbf16>, vector<256x128xf32> -> vector<256x128xf32>
      %add3A_88 = arith.addf %dot_general3A_78, %dot_general3A_87 : vector<256x128xf32>
      %max3A = arith.constant 0.000000e+00 : f32
      %max3A_89 = vector.broadcast %max3A : f32 to vector<256x128xf32>
      %max3A_90 = arith.maximumf %add3A_88, %max3A_89 : vector<256x128xf32>
      %mul3A_91 = arith.constant 256 : i32
      %mul3A_92 = arith.muli %arg0, %mul3A_91 : i32
      %swap3A = arith.index_cast %mul3A_92 : i32 to index
      %swap3A_93 = arith.constant 0 : index
      %swap3A_94 = vector.load %arg14[%swap3A, %swap3A_93] : memref<2048x128xf32, #tpu.memory_space<vmem>>, vector<256x128xf32>
      tpu.vector_store %arg14[%swap3A, %swap3A_93], %max3A_90 {strides = array<i32>} : memref<2048x128xf32, #tpu.memory_space<vmem>>, vector<256x128xf32>,
    } else {
    }
    %eq3A_26 = arith.constant 7 : i32
    %eq3A_27 = arith.cmpi eq, %arg0, %eq3A_26 : i32
    %convert_element_type3A_28 = arith.extui %eq3A_27 : i1 to i32
    %cond3A_29 = arith.constant 0 : i32
    %cond3A_30 = arith.cmpi ne, %convert_element_type3A_28, %cond3A_29 : i32
    scf.if %cond3A_30 {
      tpu.wait_dma2 semaphore(%arg19 : memref<!tpu.dma_semaphore, #tpu.memory_space<semaphore_mem>>) src(%arg2 : memref<512x2048xf32, #tpu.memory_space<any>>) dst(%arg17 : memref<512x2048xf32, #tpu.memory_space<vmem>>)
      %get3A = arith.constant 0 : index
      %get3A_31 = arith.constant 0 : index
      %get3A_32 = vector.load %arg14[%get3A, %get3A_31] : memref<2048x128xf32, #tpu.memory_space<vmem>>, vector<2048x128xf32>
      %convert_element_type3A_33 = arith.truncf %get3A_32 : vector<2048x128xf32> to vector<2048x128xbf16>
      %iota3A = tpu.iota {dimensions = array<i32: 1>} : vector<2048x2048xi32>
      %get3A_34 = arith.constant 0 : index
      %get3A_35 = arith.constant 0 : index
      %get3A_36 = vector.load %arg7[%get3A_34, %get3A_35] : memref<2048x1xi32, #tpu.memory_space<vmem>>, vector<2048x1xi32>
      %eq3A_37 = vector.broadcast %get3A_36 : vector<2048x1xi32> to vector<2048x2048xi32>
      %eq3A_38 = arith.cmpi eq, %iota3A, %eq3A_37 : vector<2048x2048xi32>
      %convert_element_type3A_39 = arith.extui %eq3A_38 : vector<2048x2048xi1> to vector<2048x2048xi32>
      %convert_element_type3A_40 = arith.sitofp %convert_element_type3A_39 : vector<2048x2048xi32> to vector<2048x2048xf32>
      %convert_element_type3A_41 = arith.truncf %convert_element_type3A_40 : vector<2048x2048xf32> to vector<2048x2048xbf16>
      %dot_general3A = arith.constant dense<0.000000e+00> : vector<2048x128xf32>
      %dot_general3A_42 = tpu.matmul %convert_element_type3A_41, %convert_element_type3A_33, %dot_general3A {dimension_numbers = #tpu.dot_dimension_numbers<[1], [0], [0], [1], [0, 0, 1, 1], [], []>, transpose_lhs_hint = false} : vector<2048x2048xbf16>, vector<2048x128xbf16>, vector<2048x128xf32> -> vector<2048x128xf32>
      %iota3A_43 = tpu.iota {dimensions = array<i32: 1>} : vector<512x2048xi32>
      %get3A_44 = arith.constant 0 : index
      %get3A_45 = arith.constant 0 : index
      %get3A_46 = vector.load %arg8[%get3A_44, %get3A_45] : memref<512x1xi32, #tpu.memory_space<vmem>>, vector<512x1xi32>
      %eq3A_47 = vector.broadcast %get3A_46 : vector<512x1xi32> to vector<512x2048xi32>
      %eq3A_48 = arith.cmpi eq, %iota3A_43, %eq3A_47 : vector<512x2048xi32>
      %convert_element_type3A_49 = arith.extui %eq3A_48 : vector<512x2048xi1> to vector<512x2048xi32>
      %convert_element_type3A_50 = arith.sitofp %convert_element_type3A_49 : vector<512x2048xi32> to vector<512x2048xf32>
      %convert_element_type3A_51 = arith.truncf %convert_element_type3A_50 : vector<512x2048xf32> to vector<512x2048xbf16>
      %dot_general3A_52 = arith.constant dense<0.000000e+00> : vector<512x128xf32>
      %dot_general3A_53 = tpu.matmul %convert_element_type3A_51, %convert_element_type3A_33, %dot_general3A_52 {dimension_numbers = #tpu.dot_dimension_numbers<[1], [0], [0], [1], [0, 0, 1, 1], [], []>, transpose_lhs_hint = false} : vector<512x2048xbf16>, vector<2048x128xbf16>, vector<512x128xf32> -> vector<512x128xf32>
      %get3A_54 = arith.constant 0 : index
      %get3A_55 = arith.constant 0 : index
      %get3A_56 = vector.load %arg17[%get3A_54, %get3A_55] : memref<512x2048xf32, #tpu.memory_space<vmem>>, vector<512x2048xf32>
      %convert_element_type3A_57 = arith.truncf %get3A_56 : vector<512x2048xf32> to vector<512x2048xbf16>
      %convert_element_type3A_58 = arith.truncf %dot_general3A_42 : vector<2048x128xf32> to vector<2048x128xbf16>
      %dot_general3A_59 = arith.constant dense<0.000000e+00> : vector<512x128xf32>
      %dot_general3A_60 = tpu.matmul %convert_element_type3A_57, %convert_element_type3A_58, %dot_general3A_59 {dimension_numbers = #tpu.dot_dimension_numbers<[1], [0], [0], [1], [0, 0, 1, 1], [], []>, transpose_lhs_hint = false} : vector<512x2048xbf16>, vector<2048x128xbf16>, vector<512x128xf32> -> vector<512x128xf32>
      %get3A_61 = arith.constant 0 : index
      %get3A_62 = arith.constant 0 : index
      %get3A_63 = vector.load %arg9[%get3A_61, %get3A_62] : memref<128x128xf32, #tpu.memory_space<vmem>>, vector<128x128xf32>
      %dot_general3A_64 = arith.constant dense<0.000000e+00> : vector<512x128xf32>
      %dot_general3A_65 = tpu.matmul %dot_general3A_53, %get3A_63, %dot_general3A_64 {dimension_numbers = #tpu.dot_dimension_numbers<[1], [0], [0], [1], [0, 0, 1, 1], [], []>, transpose_lhs_hint = false} : vector<512x128xf32>, vector<128x128xf32>, vector<512x128xf32> -> vector<512x128xf32>
      %get3A_66 = arith.constant 0 : index
      %get3A_67 = arith.constant 0 : index
      %get3A_68 = vector.load %arg10[%get3A_66, %get3A_67] : memref<128x128xf32, #tpu.memory_space<vmem>>, vector<128x128xf32>
      %dot_general3A_69 = arith.constant dense<0.000000e+00> : vector<512x128xf32>
      %dot_general3A_70 = tpu.matmul %dot_general3A_60, %get3A_68, %dot_general3A_69 {dimension_numbers = #tpu.dot_dimension_numbers<[1], [0], [0], [1], [0, 0, 1, 1], [], []>, transpose_lhs_hint = false} : vector<512x128xf32>, vector<128x128xf32>, vector<512x128xf32> -> vector<512x128xf32>
      %add3A_71 = arith.addf %dot_general3A_65, %dot_general3A_70 : vector<512x128xf32>
      %max3A = arith.constant 0.000000e+00 : f32
      %max3A_72 = vector.broadcast %max3A : f32 to vector<512x128xf32>
      %max3A_73 = arith.maximumf %add3A_71, %max3A_72 : vector<512x128xf32>
      %get3A_74 = arith.constant 0 : index
      %get3A_75 = arith.constant 0 : index
      %get3A_76 = vector.load %arg11[%get3A_74, %get3A_75] : memref<128x41xf32, #tpu.memory_space<vmem>>, vector<128x41xf32>
      %dot_general3A_77 = arith.constant dense<0.000000e+00> : vector<512x41xf32>
      %dot_general3A_78 = tpu.matmul %max3A_73, %get3A_76, %dot_general3A_77 {dimension_numbers = #tpu.dot_dimension_numbers<[1], [0], [0], [1], [0, 0, 1, 1], [], []>, transpose_lhs_hint = false} : vector<512x128xf32>, vector<128x41xf32>, vector<512x41xf32> -> vector<512x41xf32>
      %reduce_max3A = arith.constant dense<0xFF800000> : vector<512xf32>
      %reduce_max3A_79 = vector.multi_reduction <maximumf>, %dot_general3A_78, %reduce_max3A [1] : vector<512x41xf32> to vector<512xf32>
      %broadcast_in_dim3A = vector.shape_cast %reduce_max3A_79 : vector<512xf32> to vector<512x1xf32>
      %sub3A = vector.broadcast %broadcast_in_dim3A : vector<512x1xf32> to vector<512x41xf32>
      %sub3A_80 = arith.subf %dot_general3A_78, %sub3A : vector<512x41xf32>
      %exp3A = math.exp %sub3A_80 : vector<512x41xf32>
      %reduce_sum3A = arith.constant dense<0.000000e+00> : vector<512xf32>
      %reduce_sum3A_81 = vector.multi_reduction <add>, %exp3A, %reduce_sum3A [1] : vector<512x41xf32> to vector<512xf32>
      %broadcast_in_dim3A_82 = vector.shape_cast %reduce_sum3A_81 : vector<512xf32> to vector<512x1xf32>
      %div3A = vector.broadcast %broadcast_in_dim3A_82 : vector<512x1xf32> to vector<512x41xf32>
      %div3A_83 = arith.divf %exp3A, %div3A : vector<512x41xf32>
      %swap3A = arith.constant 0 : index
      %swap3A_84 = arith.constant 0 : index
      %swap3A_85 = vector.load %arg12[%swap3A, %swap3A_84] : memref<512x41xf32, #tpu.memory_space<vmem>>, vector<512x41xf32>
      tpu.vector_store %arg12[%swap3A, %swap3A_84], %div3A_83 {strides = array<i32>} : memref<512x41xf32, #tpu.memory_space<vmem>>, vector<512x41xf32>,
    } else {
    }
    return
  }
  func.func @transform_2(%arg0: i32) -> (i32, i32) {
    %c0_i32 = arith.constant 0 : i32
    %c0_i32_0 = arith.constant 0 : i32
    %c0_i32_1 = arith.constant 0 : i32
    return %c0_i32, %c0_i32_0 : i32, i32
  }
  func.func @transform_3(%arg0: i32) -> (i32, i32) {
    %c0_i32 = arith.constant 0 : i32
    %c0_i32_0 = arith.constant 0 : i32
    return %arg0, %c0_i32 : i32, i32
  }
  func.func @transform_4(%arg0: i32) -> (i32, i32) {
    %c0_i32 = arith.constant 0 : i32
    %c0_i32_0 = arith.constant 0 : i32
    %c0_i32_1 = arith.constant 0 : i32
    return %c0_i32, %c0_i32_0 : i32, i32
  }
  func.func @transform_5(%arg0: i32) -> (i32, i32) {
    %c0_i32 = arith.constant 0 : i32
    %c0_i32_0 = arith.constant 0 : i32
    %c0_i32_1 = arith.constant 0 : i32
    return %c0_i32, %c0_i32_0 : i32, i32
  }
  func.func @transform_6(%arg0: i32) -> (i32, i32) {
    %c0_i32 = arith.constant 0 : i32
    %c0_i32_0 = arith.constant 0 : i32
    %c0_i32_1 = arith.constant 0 : i32
    return %c0_i32, %c0_i32_0 : i32, i32
  }
  func.func @transform_7(%arg0: i32) -> (i32, i32) {
    %c0_i32 = arith.constant 0 : i32
    %c0_i32_0 = arith.constant 0 : i32
    %c0_i32_1 = arith.constant 0 : i32
    return %c0_i32, %c0_i32_0 : i32, i32
  }
  func.func @transform_8(%arg0: i32) -> (i32, i32) {
    %c0_i32 = arith.constant 0 : i32
    %c0_i32_0 = arith.constant 0 : i32
    %c0_i32_1 = arith.constant 0 : i32
    return %c0_i32, %c0_i32_0 : i32, i32
  }
  func.func @transform_9(%arg0: i32) -> (i32, i32) {
    %c0_i32 = arith.constant 0 : i32
    %c0_i32_0 = arith.constant 0 : i32
    %c0_i32_1 = arith.constant 0 : i32
    return %c0_i32, %c0_i32_0 : i32, i32
  }
  func.func @transform_10(%arg0: i32) -> (i32, i32) {
    %c0_i32 = arith.constant 0 : i32
    %c0_i32_0 = arith.constant 0 : i32
    %c0_i32_1 = arith.constant 0 : i32
    return %c0_i32, %c0_i32_0 : i32, i32
  }
  func.func @transform_11(%arg0: i32) -> (i32, i32) {
    %c0_i32 = arith.constant 0 : i32
    %c0_i32_0 = arith.constant 0 : i32
    %c0_i32_1 = arith.constant 0 : i32
    return %c0_i32, %c0_i32_0 : i32, i32
  }
}

</mosaic_0001>

<sc_bundles>
// kernel: kernel.4.cloned.1.call-start
scs
__scs_entry_jumppad:
0x0: {  	(pc) =	sbr.rel $0x88, $3  }
0x1: {  	(tag) =	ssettag $0x0;
	lr =	simm.s32 $0x1  }
0x2: {  	[smem:$0x3F96] =	sst lr;
	_ =	strace $0xD0000000  }
0x3: {  	_ = 	snop  }
0x4: {  	_ = 	snop  }
0x5: {  	_ = 	snop  }
0x6: {  	_ = 	snop  }
0x7: {  	_ = 	snop  }
__scs_overlays_trampoline_lowered:
0x8: {  	[smem:$0x3FA5] =	sst s0  }
0x9: {  	[smem:$0x3FA6] =	sst s1  }
0xa: {  	[smem:$0x3FA7] =	sst s2  }
0xb: {  	[smem:$0x3FA8] =	sst s3  }
0xc: {  	[smem:$0x3FA9] =	sst s4  }
0xd: {  	[smem:$0x3FAA] =	sst s5  }
0xe: {  	[smem:$0x3FAB] =	sst s6  }
0xf: {  	[smem:$0x3FAC] =	sst s7  }
0x10: {  	[smem:$0x3FAD] =	sst s8  }
0x11: {  	[smem:$0x3FAE] =	sst s9;
	s0 =	simm.s32 @!p0 $0x0  }
0x12: {  	s1 =	sld [smem:$0x3F94];
	s0 =	simm.s32 @p0 $0x1  }
0x13: {  	[smem:$0x3FAF] =	sst s0;
	s0 =	simm.s32 @!p1 $0x0  }
0x14: {  	s2 =	sld [smem:$0x3F93];
	s0 =	simm.s32 @p1 $0x1  }
0x15: {  	[smem:$0x3FB0] =	sst s0;
	s0 =	simm.s32 @!p2 $0x0  }
0x16: {  	s3 =	sld [smem:$0x3FDB];
	s0 =	simm.s32 @p2 $0x1  }
0x17: {  	s4 =	simm.s32 $0x1BF5;
	[smem:$0x3FB2] =	sst s0  }
0x18: {  	s0 =	sld [smem:$0x3F95];
	_ =	swait.ge [sflag:s4], $0x0  }
0x19: {  	s7 =	sld [smem:$0x3F96]  }
0x1a: {  	s8 =	sadd.s32 $0xFFFFE003, lr  }
0x1b: {  	s9 =	sadd.s32 $0xFFFFFEF7, lr;
	s5 =	simm.s32 $0xFFFFFFFF;
	p2 =	slt.u32 s8, $0xFFFFF086  }
0x1c: {  	p1 =	slt.u32 s9, $0xF7A;
	s5 =	simm.s32 @!p2 $0x0  }
0x1d: {  	s5 =	simm.s32 @p1 $0x1;
	p0 =	seq.s32 s7, s2  }
0x1e: {  	s7 =	smul.u32 @!p0 $0xF7A, s2;
	p2 =	seq.s32 @!p0 s5, $0x0  }
0x1f: {  	s9 =	smul.u32 $0xF7A, s1;
	s8 =	simm.s32 @!p0 $0x1BF5;
	p2 =	por !p2, p0  }
0x20: {  	[sflag:s8] =	ssyncset.s32 @!p0 $0xFFFFF086;
	s6 =	sadd.s32 @!p0 s3, s7;
	s7 =	simm.s32 @!p0 $0x108  }
0x21: {  	s3 =	sadd.s32 s3, s9;
	s6 =	sadd.s32 @!p0 $0x88, s6;
	s7 =	simm.s32 @p2 $0x1082  }
0x22: {  	[simem:s7], [sflag:s8] =	dma.local @!p0 [hbm:s6], $0xF7A  }
0x23: {  	s9 =	sor.u32 $0xD0000000, s2;
	s6 =	simm.s32 $0x108;
	_ =	swait.ge @!p0 [sflag:s8], $0x0  }
0x24: {  	s3 =	sadd.s32 $0x88, s3;
	s6 =	simm.s32 @!p1 $0x1082;
	[sflag:s4] =	ssyncset.s32 $0xFFFFF086  }
0x25: {  	[simem:s6], [sflag:s4] =	dma.local [hbm:s3], $0xF7A  }
0x26: {  	[smem:$0x3F96] =	sst s1;
	(tag) =	ssettag s2;
	_ =	strace s9  }
0x27: {  	s1 =	sld [smem:$0x3FA6]  }
0x28: {  	s2 =	sld [smem:$0x3FA7]  }
0x29: {  	s4 =	sld [smem:$0x3FA9]  }
0x2a: {  	p0 =	seq.s32 s5, $0x0;
	s5 =	sld [smem:$0x3FAA]  }
0x2b: {  	s6 =	sld [smem:$0x3FAB]  }
0x2c: {  	s7 =	sld [smem:$0x3FAC]  }
0x2d: {  	s3 =	simm.s32 $0x108;
	s8 =	sld [smem:$0x3FAD]  }
0x2e: {  	s3 =	simm.s32 @!p0 $0x1082;
	s9 =	sld [smem:$0x3FAE]  }
0x2f: {  	lr =	sadd.s32 s0, s3;
	s0 =	sld [smem:$0x3FA5]  }
0x30: {  	s3 =	sld [smem:$0x3FA8]  }
0x31: {  	[smem:$0x3FB1] =	sst s10  }
0x32: {  	s10 =	sld [smem:$0x3FAF];
	_ =	sdelay $0x3  }
0x33: {  	p0 =	seq.s32 s10, $0x1;
	s10 =	sld [smem:$0x3FB1];
	_ =	sdelay $0x3  }
0x34: {  	[smem:$0x3FB1] =	sst s10  }
0x35: {  	s10 =	sld [smem:$0x3FB0];
	_ =	sdelay $0x3  }
0x36: {  	p1 =	seq.s32 s10, $0x1;
	s10 =	sld [smem:$0x3FB1];
	_ =	sdelay $0x3  }
0x37: {  	[smem:$0x3FB1] =	sst s10  }
0x38: {  	s10 =	sld [smem:$0x3FB2]  }
0x39: {  	_ = 	snop;
	(pc) =	sbr.ind lr, $3  }
0x3a: {  	_ = 	snop  }
0x3b: {  	_ = 	snop  }
0x3c: {  	p2 =	seq.s32 s10, $0x1;
	s10 =	sld [smem:$0x3FB1]  }
0x3d: {  	_ =	shalt  }
0x3e: {  	_ =	shalt  }
0x3f: {  	_ =	shalt  }
0x40: {  	_ =	shalt  }
0x41: {  	_ =	shalt  }
0x42: {  	_ =	shalt  }
0x43: {  	_ =	shalt  }
0x44: {  	_ =	shalt  }
0x45: {  	_ =	shalt  }
0x46: {  	_ =	shalt  }
0x47: {  	_ =	shalt  }
0x48: {  	_ =	shalt  }
0x49: {  	_ =	shalt  }
0x4a: {  	_ =	shalt  }
0x4b: {  	_ =	shalt  }
0x4c: {  	_ =	shalt  }
0x4d: {  	_ =	shalt  }
0x4e: {  	_ =	shalt  }
0x4f: {  	_ =	shalt  }
0x50: {  	_ =	shalt  }
0x51: {  	_ =	shalt  }
0x52: {  	_ =	shalt  }
0x53: {  	_ =	shalt  }
0x54: {  	_ =	shalt  }
0x55: {  	_ =	shalt  }
0x56: {  	_ =	shalt  }
0x57: {  	_ =	shalt  }
0x58: {  	_ =	shalt  }
0x59: {  	_ =	shalt  }
0x5a: {  	_ =	shalt  }
0x5b: {  	_ =	shalt  }
0x5c: {  	_ =	shalt  }
0x5d: {  	_ =	shalt  }
0x5e: {  	_ =	shalt  }
0x5f: {  	_ =	shalt  }
0x60: {  	_ =	shalt  }
0x61: {  	_ =	shalt  }
0x62: {  	_ =	shalt  }
0x63: {  	_ =	shalt  }
0x64: {  	_ =	shalt  }
0x65: {  	_ =	shalt  }
0x66: {  	_ =	shalt  }
0x67: {  	_ =	shalt  }
0x68: {  	_ =	shalt  }
0x69: {  	_ =	shalt  }
0x6a: {  	_ =	shalt  }
0x6b: {  	_ =	shalt  }
0x6c: {  	_ =	shalt  }
0x6d: {  	_ =	shalt  }
0x6e: {  	_ =	shalt  }
0x6f: {  	_ =	shalt  }
0x70: {  	_ =	shalt  }
0x71: {  	_ =	shalt  }
0x72: {  	_ =	shalt  }
0x73: {  	_ =	shalt  }
0x74: {  	_ =	shalt  }
0x75: {  	_ =	shalt  }
0x76: {  	_ =	shalt  }
0x77: {  	_ =	shalt  }
0x78: {  	_ =	shalt  }
0x79: {  	_ =	shalt  }
0x7a: {  	_ =	shalt  }
0x7b: {  	_ =	shalt  }
0x7c: {  	_ =	shalt  }
0x7d: {  	_ =	shalt  }
0x7e: {  	_ =	shalt  }
0x7f: {  	_ =	shalt  }
0x80: {  	_ =	shalt  }
0x81: {  	_ =	shalt  }
0x82: {  	_ =	shalt  }
0x83: {  	_ =	shalt  }
0x84: {  	_ =	shalt  }
0x85: {  	_ =	shalt  }
0x86: {  	_ =	shalt  }
0x87: {  	_ =	shalt  }
.Lfunc_end0:
.L_simem_size_0:
called_computation_lowered:
.L_overlay_start_0:
0x88: {  	s2 =	sld [smem:$0x3FD9]  }
0x89: {  	s3 =	sld [smem:$0x3FFE];
	_ =	sdelay $0x1  }
0x8a: {  	s1 =	srdreg.scid  }
0x8b: {  	s0 =	sand.u32 $0x1, s1  }
0x8c: {  	s17 =	sshll.u32 s0, $0xA;
	s2 =	sadd.s32 s3, s2  }
0x8d: {  	s2 =	sadd.s32 s2, s17  }
0x8e: {  	[smem:$0x3FBD] =	sst s2  }
0x8f: {  	_ = 	snop  }
0x90: {  	s2 =	sld [smem:$0x3FC9]  }
0x91: {  	s18 =	sld [smem:$0x3FC8]  }
0x92: {  	s4 =	sld [smem:$0x3FC7]  }
0x93: {  	s5 =	sld [smem:$0x3FC6];
	(tm) =	ssettm $0x1  }
0x94: {  	s6 =	sld [smem:$0x3FFB];
	_ =	sdelay $0x3  }
0x95: {  	_ =	strace s6  }
0x96: {  	s6 =	sld [smem:$0x3FFC];
	_ =	sdelay $0x3  }
0x97: {  	_ =	strace s6  }
0x98: {  	s6 =	sld [smem:$0x3FFD];
	_ =	sdelay $0x3  }
0x99: {  	_ =	strace s6  }
0x9a: {  	_ =	strace $0x8FFFFFFF  }
0x9b: {  	s19 =	sld [smem:$0x3FDB];
	_ =	sdelay $0x1  }
0x9c: {  	s7 =	simm.s32 $_scs_section_size  }
0x9d: {  	s8 =	simm.s32 $_size__tile_overlayer_lowered;
	s9 =	simm.s32 $_tile_overlayer_lowered  }
0x9e: {  	s22 =	simm.s32 $0x1BFF;
	s21 =	sshll.u32 s9, $0x1;
	s6 =	sadd.s32 s7, s19  }
0x9f: {  	s10 =	simm.s32 $0x0;
	s20 =	sshll.u32 s8, $0x1;
	s8 =	sadd.s32 s21, s6  }
0xa0: {  	[timem:s10], [sflag:s22] =	dma.local [hbm:s8], s20  }
0xa1: {  	_ =	swait.ge [sflag:s22], s20  }
0xa2: {  	s7 =	ssub.s32 $0x0, s20;
	[sflag:s22] =	ssyncset.done $0x0  }
0xa3: {  	[sflag:s22] =	ssyncadd.s32 s7;
	_ =	sdelay $0x1  }
0xa4: {  	s23 =	simm.s32 $0x1B8B  }
0xa5: {  	_ =	swait.ge [sflag:s23], $0x1  }
0xa6: {  	[sflag:s23] =	ssyncset.done $0x0  }
0xa7: {  	s25 =	simm.s32 $0x1B8E;
	s24 =	sld [smem:$0x3FFE];
	[sflag:s23] =	ssyncadd.s32 $0xFFFFFFFF  }
0xa8: {  	s26 =	simm.s32 $execute0_lowered;
	[smem:$0x3FD2] =	sst s25  }
0xa9: {  	s8 =	sshll.u32 s26, $0x1;
	_ =	strace $0x80000046;
	[dreg:$0x1] =	wrdreg $0xFFFFFFFF  }
0xaa: {  	s28 =	simm.s32 $_size_execute0_lowered;
	s6 =	sadd.s32 s6, s8;
	[dreg:$0x0] =	wrdreg $0x0  }
0xab: {  	s8 =	sshll.u32 s28, $0x1;
	[dreg:$0x2] =	wrdreg s6  }
0xac: {  	[dreg:$0x3] =	wrdreg s8  }
0xad: {  	[dreg:$0x4] =	wrdreg $0xC0  }
0xae: {  	_ =	task [dreg:s10], $0x5FFFF  }
0xaf: {  	[dreg:$0x1] =	wrdreg $0xFFFFFFFF  }
0xb0: {  	[dreg:$0x0] =	wrdreg $0x60  }
0xb1: {  	[dreg:$0x2] =	wrdreg s2  }
0xb2: {  	[dreg:$0x3] =	wrdreg s18  }
0xb3: {  	[dreg:$0x4] =	wrdreg s4  }
0xb4: {  	[dreg:$0x5] =	wrdreg s5  }
0xb5: {  	[dreg:$0x6] =	wrdreg s24  }
0xb6: {  	[dreg:$0x7] =	wrdreg $0x9  }
0xb7: {  	_ =	task.clear_ibuf [dreg:s10], $0x8FFFF;
	_ =	strace $0x90000046  }
0xb8: {  	s29 =	simm.s32 $0x9;
	_ =	strace $0x80000048  }
0xb9: {  	_ =	swait.ge [sflag:s29], $0x1  }
0xba: {  	[sflag:s29] =	ssyncadd.s32 $0xFFFFFFFF  }
0xbb: {  	_ =	strace $0x90000048  }
0xbc: {  	_ =	sfence  }
0xbd: {  	s30 =	sld [smem:$0x0];
	_ =	sdelay $0x2  }
0xbe: {  	s31 =	sshll.u32 s1, $0xD;
	s1 =	sshrl.u32 s1, $0x2  }
0xbf: {  	s3 =	sand.u32 $0x4000, s31;
	s1 =	sadd.s32 s1, s30  }
0xc0: {  	s0 =	sor.u32 s3, s0;
	s1 =	sshll.u32 s1, $0x11  }
0xc1: {  	s0 =	sor.u32 s1, s0  }
0xc2: {  	s0 =	sadd.s32 $0x8F2B, s0  }
0xc3: {  	[sflag:s0] =	ssyncadd.remote.s32 $0x1  }
0xc4: {  	_ =	sfence.sel $0xFFFF  }
0xc5: {  	[dreg:$0x0] =	wrdreg $0xFFFFFFFF;
	(pc) =	sbr.abs _section_cstart, $3  }
0xc6: {  	[dreg:$0x1] =	wrdreg $0xFFFFFFFF  }
0xc7: {  	_ =	task.clear_ibuf [dreg:s10], $0x2FFFF;
	_ =	strace $0x9FFFFFFF  }
0xc8: {  	(tm) =	ssettm $0x7FFFFFFF  }
0xc9: {  	_ =	shalt  }
tec
execute0_lowered:
.L_overlay_start_1:
0x0: {  	(tag) =	ssettag $0x1  }
0x1: {  	s1 =	rddreg [dreg:$0x0]  }
0x2: {  	s2 =	rddreg [dreg:$0x1]  }
0x3: {  	s5 =	rddreg [dreg:$0x2]  }
0x4: {  	s7 =	rddreg [dreg:$0x3]  }
0x5: {  	s3 =	srdreg.scid;
	s0 =	stileid.u32  }
0x6: {  	s17 =	rddreg [dreg:$0x4];
	s16 =	sand.u32 $0x1, s3;
	s6 =	sshll.u32 s0, $0x1  }
0x7: {  	s4 =	simm.s32 $0x0;
	s3 =	rddreg [dreg:$0x5];
	s18 =	sor.u32 s16, s6  }
0x8: {  	[smem:$0x7FF] =	sst s4;
	s6 =	sshll.u32 s18, $0x5  }
0x9: {  	_ =	strace $0x80000047;
	s6 =	sadd.s32 s5, s6;
	s5 =	simm.s32 $0x3  }
0xa: {  	[tilespmem:s4], [sflag:$0x3] =	stream.linear.gather [hbm4b:s6+s4], $0x100, $0x38;
	[tilespmem:$0xA300] =	vst v63  }
0xb: {  	_ =	swait.ge [sflag:s5], $0x100  }
0xc: {  	s8 =	sshll.u32 s18, $0x3;
	[sflag:s5] =	ssyncset.done $0x0  }
0xd: {  	s7 =	sadd.s32 s7, s8;
	s8 =	simm.s32 $0x100;
	[sflag:s5] =	ssyncadd.s32 $0xFFFFFF00  }
0xe: {  	[tilespmem:s8], [sflag:$0x3] =	stream.linear.gather [hbm4b:s7+s4], $0x40, $0x38;
	[tilespmem:$0xA300] =	vst v63  }
0xf: {  	_ =	swait.ge [sflag:s5], $0x40  }
0x10: {  	[sflag:s5] =	ssyncset.done $0x0  }
0x11: {  	s9 =	simm.s32 $0x180;
	[sflag:s5] =	ssyncadd.s32 $0xFFFFFFC0  }
0x12: {  	[tilespmem:s9], [sflag:$0x1] =	stream.indirect.gather [hbm4b:s2+s8], $0x1, s4, s8, $0xb8;
	[tilespmem:$0xA300] =	vst v63  }
0x13: {  	s10 =	simm.s32 $0x40;
	s11 =	simm.s32 $0x280;
	s12 =	simm.s32 $0x1  }
0x14: {  	[tilespmem:s11], [sflag:$0x2] =	stream.indirect.gather [hbm4b:s2+s10], $0x1, s8, s10, $0xb8;
	[tilespmem:$0xA300] =	vst v63  }
0x15: {  	_ =	swait.ge [sflag:s12], $0x100  }
0x16: {  	[sflag:s12] =	ssyncset.done $0x0  }
0x17: {  	s13 =	simm.s32 $0x2;
	[sflag:s12] =	ssyncadd.s32 $0xFFFFFF00  }
0x18: {  	_ =	swait.ge [sflag:s13], $0x40  }
0x19: {  	[sflag:s13] =	ssyncset.done $0x0  }
0x1a: {  	s14 =	simm.s32 $0x300;
	[sflag:s13] =	ssyncadd.s32 $0xFFFFFFC0  }
0x1b: {  	[tilespmem:s14], [sflag:$0x1] =	stream.indirect.gather [hbm4b:s1+s8], $0x80, s9, s8, $0xb8;
	[tilespmem:$0xA300] =	vst v63  }
0x1c: {  	s15 =	simm.s32 $0x8300  }
0x1d: {  	[tilespmem:s15], [sflag:$0x2] =	stream.indirect.gather [hbm4b:s1+s10], $0x80, s11, s10, $0xb8;
	[tilespmem:$0xA300] =	vst v63  }
0x1e: {  	_ =	swait.ge [sflag:s12], $0x8000  }
0x1f: {  	s20 =	ssub.s32 $0x2, s16;
	[sflag:s12] =	ssyncset.done $0x0  }
0x20: {  	s19 =	sshll.u32 s18, $0xC;
	s18 =	sshll.u32 s18, $0xA;
	[sflag:s12] =	ssyncadd.s32 $0xFFFF8000  }
0x21: {  	s30 =	sshrl.u32 s20, $0x1;
	s19 =	sadd.s32 s19, s17;
	_ =	swait.ge [sflag:s13], $0x2000  }
0x22: {  	s17 =	sadd.s32 s18, s17;
	s31 =	ssub.s32 s20, s30;
	[sflag:s13] =	ssyncset.done $0x0  }
0x23: {  	s16 =	sadd.s32 $0x1A00, s19;
	s18 =	smax.u32 s31, $0x1;
	[sflag:s13] =	ssyncadd.s32 $0xFFFFE000  }
0x24: {  	[hbm4b:s16+s4] =	stream.linear.scatter [tilespmem:s14], [sflag:$0x3], $0x8000, $0x38;
	[tilespmem:$0xA300] =	vst v63  }
0x25: {  	p0 =	sne.s32 s18, $0x1;
	_ =	swait.ge [sflag:s5], $0x8000  }
.Ltmp0:
0x26: {  	[sflag:s5] =	ssyncset.done $0x0;
	(pc) =	sbr.rel @!p0 .LBB2_2-.Ltmp0, $4  }
0x27: {  	s17 =	sadd.s32 $0x21A00, s17;
	[sflag:s5] =	ssyncadd.s32 $0xFFFF8000  }
0x28: {  	[hbm4b:s17+s4] =	stream.linear.scatter [tilespmem:s15], [sflag:$0x3], $0x2000, $0x38;
	[tilespmem:$0xA300] =	vst v63  }
0x29: {  	_ =	swait.ge [sflag:s5], $0x2000  }
0x2a: {  	s18 =	sadd.s32 $0xFFFFFFFF, s18;
	[sflag:s5] =	ssyncset.done $0x0  }
.LBB2_1:
0x2b: {  	p0 =	sne.s32 s18, $0x1;
	s18 =	sadd.s32 $0xFFFFFFFF, s18;
	[sflag:s5] =	ssyncadd.s32 $0xFFFFE000  }
0x2c: {  	[tilespmem:s4], [sflag:$0x3] =	stream.linear.gather [hbm4b:s6+s4], $0x100, $0x38;
	[tilespmem:$0xA300] =	vst v63  }
0x2d: {  	_ =	swait.ge [sflag:s5], $0x100  }
0x2e: {  	[sflag:s5] =	ssyncset.done $0x0  }
0x2f: {  	[sflag:s5] =	ssyncadd.s32 $0xFFFFFF00  }
0x30: {  	[tilespmem:s8], [sflag:$0x3] =	stream.linear.gather [hbm4b:s7+s4], $0x40, $0x38;
	[tilespmem:$0xA300] =	vst v63  }
0x31: {  	_ =	swait.ge [sflag:s5], $0x40  }
0x32: {  	[sflag:s5] =	ssyncset.done $0x0  }
0x33: {  	[sflag:s5] =	ssyncadd.s32 $0xFFFFFFC0  }
0x34: {  	[tilespmem:s9], [sflag:$0x1] =	stream.indirect.gather [hbm4b:s2+s8], $0x1, s4, s8, $0xb8;
	[tilespmem:$0xA300] =	vst v63  }
0x35: {  	_ = 	snop  }
0x36: {  	[tilespmem:s11], [sflag:$0x2] =	stream.indirect.gather [hbm4b:s2+s10], $0x1, s8, s10, $0xb8;
	[tilespmem:$0xA300] =	vst v63  }
0x37: {  	_ =	swait.ge [sflag:s12], $0x100  }
0x38: {  	[sflag:s12] =	ssyncset.done $0x0  }
0x39: {  	[sflag:s12] =	ssyncadd.s32 $0xFFFFFF00  }
0x3a: {  	_ =	swait.ge [sflag:s13], $0x40  }
0x3b: {  	[sflag:s13] =	ssyncset.done $0x0  }
0x3c: {  	[sflag:s13] =	ssyncadd.s32 $0xFFFFFFC0  }
0x3d: {  	[tilespmem:s14], [sflag:$0x1] =	stream.indirect.gather [hbm4b:s1+s8], $0x80, s9, s8, $0xb8;
	[tilespmem:$0xA300] =	vst v63  }
0x3e: {  	_ = 	snop  }
0x3f: {  	[tilespmem:s15], [sflag:$0x2] =	stream.indirect.gather [hbm4b:s1+s10], $0x80, s11, s10, $0xb8;
	[tilespmem:$0xA300] =	vst v63  }
0x40: {  	_ =	swait.ge [sflag:s12], $0x8000  }
0x41: {  	[sflag:s12] =	ssyncset.done $0x0  }
0x42: {  	[sflag:s12] =	ssyncadd.s32 $0xFFFF8000  }
0x43: {  	_ =	swait.ge [sflag:s13], $0x2000  }
0x44: {  	[sflag:s13] =	ssyncset.done $0x0  }
0x45: {  	[sflag:s13] =	ssyncadd.s32 $0xFFFFE000  }
0x46: {  	[hbm4b:s16+s4] =	stream.linear.scatter [tilespmem:s14], [sflag:$0x3], $0x8000, $0x38;
	[tilespmem:$0xA300] =	vst v63  }
0x47: {  	_ =	swait.ge [sflag:s5], $0x8000  }
.Ltmp1:
0x48: {  	[sflag:s5] =	ssyncset.done $0x0;
	(pc) =	sbr.rel @p0 .LBB2_1-.Ltmp1, $4  }
0x49: {  	[sflag:s5] =	ssyncadd.s32 $0xFFFF8000  }
0x4a: {  	[hbm4b:s17+s4] =	stream.linear.scatter [tilespmem:s15], [sflag:$0x3], $0x2000, $0x38;
	[tilespmem:$0xA300] =	vst v63  }
0x4b: {  	_ =	swait.ge [sflag:s5], $0x2000  }
0x4c: {  	[sflag:s5] =	ssyncset.done $0x0  }
.LBB2_2:
0x4d: {  	[sflag:s5] =	ssyncadd.s32 $0xFFFFE000  }
0x4e: {  	_ =	sfence.sel $0x180000  }
0x4f: {  	[bflag:$0x0] =	sbarrier.arrive $0xFFFF  }
0x50: {  	p0 =	sne.s32 s0, $0x0;
	_ =	strace $0x90000047  }
0x51: {  	s0 =	sadd.s32 @!p0 $0x100000, s3;
	[bflag:$0x2] =	sbarrier.arrive $0xFFFF  }
0x52: {  	[sflag:s0] =	ssyncadd.tile.s32 @!p0 $0x1;
	_ =	shalt  }
.Lfunc_end2:
_tile_overlayer_lowered:
.L_overlay_start_2:
0x53: {  	(tag) =	ssettag $0x2  }
0x54: {  	s0 =	rddreg [dreg:$0x0];
	s2 =	stileid.u32  }
0x55: {  	s1 =	rddreg [dreg:$0x1];
	p0 =	sne.s32 s2, $0x0  }
0x56: {  	s3 =	rddreg [dreg:$0x2];
	[bflag:$0x3] =	sbarrier.arrive $0xFFFF;
	s2 =	simm.s32 @!p0 $0x1C03  }
0x57: {  	[timem:s3], [sflag:s2] =	dma.local @!p0 [hbm:s0], s1  }
0x58: {  	s0 =	simm.s32 @!p0 $0x3  }
0x59: {  	_ =	swait.ge @!p0 [sflag:s0], s1  }
0x5a: {  	s1 =	ssub.s32 @!p0 $0x0, s1;
	[sflag:s0] =	ssyncset.done @!p0 $0x0  }
0x5b: {  	[sflag:s0] =	ssyncadd.s32 @!p0 s1  }
0x5c: {  	[bflag:$0x3] =	sbarrier.arrive $0xFFFF  }
0x5d: {  	_ =	shalt  }

</sc_bundles>
